<compile_context>
chip_gen: v7x
topology: tpu7x:2x2x1
jax: 0.10.2.dev20260603
libtpu: 0.0.44.dev20260713+nightly
codegen_flags: <defaults>
</compile_context>

<pallas_src>
import functools

import jax
import jax.numpy as jnp
from jax import lax
from jax.experimental import pallas as pl
from jax.experimental.pallas import tpu as pltpu
from jax.experimental.pallas import tpu_sc as plsc

_B, _N, _D = 4, 4096, 3
_K = 16
_TQ = 256

_NW = 32
_BN = _B * _N
_QPW = _BN // _NW
_WPB = _N // _QPW


def _knn_body(ptst_ref, q_ref, idx_ref):
    q = q_ref[0]
    p0 = ptst_ref[0, 0:1, :]
    p1 = ptst_ref[0, 1:2, :]
    p2 = ptst_ref[0, 2:3, :]
    d0 = q[:, 0:1] - p0
    d1 = q[:, 1:2] - p1
    d2 = q[:, 2:3] - p2
    dist = (d0 * d0 + d1 * d1) + d2 * d2

    lane_ids = jax.lax.broadcasted_iota(jnp.int32, (_TQ, _N), 1)
    lane_f = lane_ids.astype(jnp.float32)
    row_ids = jax.lax.broadcasted_iota(jnp.int32, (_TQ, _N), 0)
    self_ids = row_ids + pl.program_id(1) * _TQ
    dist = jnp.where(lane_ids == self_ids, jnp.inf, dist)

    for t in range(_K):
        m = jnp.min(dist, axis=1, keepdims=True)
        sel = jnp.min(jnp.where(dist == m, lane_f, jnp.float32(_N)),
                      axis=1, keepdims=True)
        idx_ref[0, :, t : t + 1] = sel.astype(jnp.int32)
        if t + 1 < _K:
            dist = jnp.where(lane_f == sel, jnp.inf, dist)


def _gather_body(ptsd_hbm, idx_hbm, out_hbm, idx_v, p0_v, p1_v, p2_v,
                 o0_v, o1_v, o2_v):
    wid = lax.axis_index("s") * 2 + lax.axis_index("c")
    b = wid // _WPB
    qbase = (wid % _WPB) * _QPW
    pltpu.sync_copy(idx_hbm.at[pl.ds(wid * _QPW * _K, _QPW * _K)], idx_v)
    pltpu.sync_copy(ptsd_hbm.at[pl.ds((b * _D + 0) * _N, _N)], p0_v)
    pltpu.sync_copy(ptsd_hbm.at[pl.ds((b * _D + 1) * _N, _N)], p1_v)
    pltpu.sync_copy(ptsd_hbm.at[pl.ds((b * _D + 2) * _N, _N)], p2_v)

    def body(s, carry):
        vidx = idx_v[pl.ds(s * _K, _K)]
        cidx = jnp.full((_K,), qbase + s, jnp.int32)
        for p_v, o_v in ((p0_v, o0_v), (p1_v, o1_v), (p2_v, o2_v)):
            nbr = plsc.load_gather(p_v, [vidx])
            ctr = plsc.load_gather(p_v, [cidx])
            o_v[pl.ds(s * _K, _K)] = nbr - ctr
        return carry

    lax.fori_loop(0, _QPW, body, 0)

    base = wid * _QPW * _K
    pltpu.sync_copy(o0_v, out_hbm.at[pl.ds(0 * _BN * _K + base, _QPW * _K)])
    pltpu.sync_copy(o1_v, out_hbm.at[pl.ds(1 * _BN * _K + base, _QPW * _K)])
    pltpu.sync_copy(o2_v, out_hbm.at[pl.ds(2 * _BN * _K + base, _QPW * _K)])


@jax.jit
def _knn_call(points):
    pts_t = jnp.transpose(points, (0, 2, 1))
    idx_out = pl.pallas_call(
        _knn_body,
        grid=(_B, _N // _TQ),
        in_specs=[
            pl.BlockSpec((1, _D, _N), lambda b, q: (b, 0, 0)),
            pl.BlockSpec((1, _TQ, _D), lambda b, q: (b, q, 0)),
        ],
        out_specs=pl.BlockSpec((1, _TQ, _K), lambda b, q: (b, q, 0)),
        out_shape=jax.ShapeDtypeStruct((_B, _N, _K), jnp.int32),
        compiler_params=pltpu.CompilerParams(
            dimension_semantics=("parallel", "parallel"),
        ),
    )(pts_t, points)

    gather = functools.partial(
        pl.kernel,
        mesh=plsc.VectorSubcoreMesh(core_axis_name="c", subcore_axis_name="s"),
        out_type=jax.ShapeDtypeStruct((_D * _BN * _K,), jnp.float32),
        compiler_params=pltpu.CompilerParams(needs_layout_passes=False),
        scratch_types=[
            pltpu.VMEM((_QPW * _K,), jnp.int32),
            pltpu.VMEM((_N,), jnp.float32),
            pltpu.VMEM((_N,), jnp.float32),
            pltpu.VMEM((_N,), jnp.float32),
            pltpu.VMEM((_QPW * _K,), jnp.float32),
            pltpu.VMEM((_QPW * _K,), jnp.float32),
            pltpu.VMEM((_QPW * _K,), jnp.float32),
        ],
    )(_gather_body)
    feat_flat = gather(pts_t.reshape(_B * _D * _N), idx_out.reshape(_BN * _K))
    feats = jnp.transpose(feat_flat.reshape(_D, _B, _N, _K), (1, 2, 3, 0))
    return idx_out, feats


def kernel(points, k):
    idx_out, local_features = _knn_call(points)
    knn_idx = idx_out + (jnp.asarray(k) - _K).astype(idx_out.dtype)
    return local_features, knn_idx

# --- scband reference (transcript-rebuilt; emitter-appended) ---
"""Pipeline reference for scband-causal-refine-net-83983790506180 (READ-ONLY COPY).

The authoritative reference and input builder live on the scoring server;
editing this copy changes nothing except your own understanding.
"""

import jax, jax.numpy as jnp
import numpy as np


def _find_knn(points, k, k_static):
    # points: (B, N, 3)
    dists = jnp.sum((points[:, :, None, :] - points[:, None, :, :]) ** 2, axis=-1)  # (B, N, N)
    k_plus_1 = min(k_static + 1, points.shape[1])
    _, idx = jax.lax.top_k(-dists, k_plus_1)  # smallest distances
    knn_idx = idx[:, :, 1:k_static + 1]  # drop self
    knn_idx = knn_idx + (jnp.asarray(k) - k_static).astype(knn_idx.dtype)
    return knn_idx


def _gather_neighbors(points, knn_idx):
    # points: (B, N, 3), knn_idx: (B, N, k) -> (B, N, k, 3)
    return jax.vmap(lambda p, i: p[i])(points, knn_idx)


def setup_inputs(seed: int = 0) -> dict:
    key = jax.random.key(seed)
    points = jax.random.normal(key, (4, 4096, 3), dtype=jnp.float32)
    return {"points": points, "k": 16}


def reference(points, k):
    # find_knn: brute-force pairwise distances + topk (retrieval core of CausalRefineNet)
    knn_idx = _find_knn(points, k, 16)
    # compute_local_features: gather neighbors and center them
    neighbors = _gather_neighbors(points, knn_idx)
    center = points[:, :, None, :]
    local_features = neighbors - center  # (B, N, k, 3)
    return local_features, knn_idx

if __name__ == "__main__":
    import jax
    _d = setup_inputs()
    print(jax.jit(kernel)(*tuple(_d.values())))

</pallas_src>

<mosaic_0001>
#map = affine_map<(d0, d1) -> (0)>
module attributes {stable_mosaic.version = 14 : i64} {
  func.func @_gather_body(%arg0: i32, %arg1: i32, %arg2: memref<49152xf32, #tpu.memory_space<hbm>>, %arg3: memref<262144xi32, #tpu.memory_space<hbm>>, %arg4: memref<786432xf32, #tpu.memory_space<hbm>>, %arg5: memref<8192xi32, #tpu.memory_space<vmem>>, %arg6: memref<4096xf32, #tpu.memory_space<vmem>>, %arg7: memref<4096xf32, #tpu.memory_space<vmem>>, %arg8: memref<4096xf32, #tpu.memory_space<vmem>>, %arg9: memref<8192xf32, #tpu.memory_space<vmem>>, %arg10: memref<8192xf32, #tpu.memory_space<vmem>>, %arg11: memref<8192xf32, #tpu.memory_space<vmem>>) attributes {dimension_semantics = [#tpu.dimension_semantics<core_parallel>, #tpu.dimension_semantics<subcore_parallel>], iteration_bounds = array<i64: 2, 16>, scalar_prefetch = 0 : i64, scratch_operands = 7 : i64, tpu.core_type = #tpu.core_type<sc_vector_subcore>, window_params = [{transform_indices = #map}, {transform_indices = #map}, {transform_indices = #map}]} {
    %mul3A = arith.constant 2 : i32
    %mul3A_0 = arith.muli %arg1, %mul3A : i32
    %add3A = arith.addi %mul3A_0, %arg0 : i32
    %jit3A = arith.constant 8 : i32
    %div3A = arith.divsi %add3A, %jit3A : i32
    %sign3A = arith.constant 0 : i32
    %sign3A_1 = arith.cmpi sgt, %add3A, %sign3A : i32
    %sign3A_2 = arith.extui %sign3A_1 : i1 to i32
    %sign3A_3 = arith.constant 0 : i32
    %sign3A_4 = arith.cmpi slt, %add3A, %sign3A_3 : i32
    %sign3A_5 = arith.extui %sign3A_4 : i1 to i32
    %sign3A_6 = arith.subi %sign3A_2, %sign3A_5 : i32
    %sign3A_7 = arith.constant 0 : i32
    %sign3A_8 = arith.cmpi sgt, %jit3A, %sign3A_7 : i32
    %sign3A_9 = arith.extui %sign3A_8 : i1 to i32
    %sign3A_10 = arith.constant 0 : i32
    %sign3A_11 = arith.cmpi slt, %jit3A, %sign3A_10 : i32
    %sign3A_12 = arith.extui %sign3A_11 : i1 to i32
    %sign3A_13 = arith.subi %sign3A_9, %sign3A_12 : i32
    %ne3A = arith.cmpi ne, %sign3A_6, %sign3A_13 : i32
    %rem3A = arith.remsi %add3A, %jit3A : i32
    %ne3A_14 = arith.constant 0 : i32
    %ne3A_15 = arith.cmpi ne, %rem3A, %ne3A_14 : i32
    %and3A = arith.andi %ne3A, %ne3A_15 : i1
    %sub3A = arith.constant 1 : i32
    %sub3A_16 = arith.subi %div3A, %sub3A : i32
    %select_n3A = arith.select %and3A, %sub3A_16, %div3A : i32
    %jit3A_17 = arith.constant 8 : i32
    %eq3A = arith.constant 0 : i32
    %eq3A_18 = arith.cmpi eq, %jit3A_17, %eq3A : i32
    %jit3A_19 = arith.constant 1 : i32
    %select_n3A_20 = arith.select %eq3A_18, %jit3A_19, %jit3A_17 : i32
    %rem3A_21 = arith.remsi %add3A, %select_n3A_20 : i32
    %ne3A_22 = arith.constant 0 : i32
    %ne3A_23 = arith.cmpi ne, %rem3A_21, %ne3A_22 : i32
    %lt3A = arith.constant 0 : i32
    %lt3A_24 = arith.cmpi slt, %rem3A_21, %lt3A : i32
    %lt3A_25 = arith.constant 0 : i32
    %lt3A_26 = arith.cmpi slt, %select_n3A_20, %lt3A_25 : i32
    %ne3A_27 = arith.xori %lt3A_24, %lt3A_26 : i1
    %and3A_28 = arith.andi %ne3A_27, %ne3A_23 : i1
    %add3A_29 = arith.addi %rem3A_21, %select_n3A_20 : i32
    %select_n3A_30 = arith.select %and3A_28, %add3A_29, %rem3A_21 : i32
    %mul3A_31 = arith.constant 512 : i32
    %mul3A_32 = arith.muli %select_n3A_30, %mul3A_31 : i32
    %mul3A_33 = arith.constant 512 : i32
    %mul3A_34 = arith.muli %add3A, %mul3A_33 : i32
    %mul3A_35 = arith.constant 16 : i32
    %mul3A_36 = arith.muli %mul3A_34, %mul3A_35 : i32
    "tpu.region"() ({
      %run_scoped3A = tpu.sem_alloc : memref<!tpu.dma_semaphore, #tpu.memory_space<semaphore_mem>>
      %dma_start3A = tpu.memref_slice %arg3[%mul3A_36] : memref<262144xi32, #tpu.memory_space<hbm>> -> memref<8192xi32, #tpu.memory_space<hbm>>
      %dma_start3A_70 = tpu.memref_slice %arg3[%mul3A_36] : memref<262144xi32, #tpu.memory_space<hbm>> -> memref<8192xi32, #tpu.memory_space<hbm>>
      tpu.enqueue_dma source(%dma_start3A_70 : memref<8192xi32, #tpu.memory_space<hbm>>) target(%arg5 : memref<8192xi32, #tpu.memory_space<vmem>>) target_semaphore(%run_scoped3A : memref<!tpu.dma_semaphore, #tpu.memory_space<semaphore_mem>>)
      %dma_wait3A = tpu.memref_slice %arg3[%mul3A_36] : memref<262144xi32, #tpu.memory_space<hbm>> -> memref<8192xi32, #tpu.memory_space<hbm>>
      %dma_wait3A_71 = tpu.memref_slice %arg3[%mul3A_36] : memref<262144xi32, #tpu.memory_space<hbm>> -> memref<8192xi32, #tpu.memory_space<hbm>>
      tpu.wait_dma2 semaphore(%run_scoped3A : memref<!tpu.dma_semaphore, #tpu.memory_space<semaphore_mem>>) src(%dma_wait3A_71 : memref<8192xi32, #tpu.memory_space<hbm>>) dst(%arg5 : memref<8192xi32, #tpu.memory_space<vmem>>)
      tpu.yield
    }) : () -> ()
    %mul3A_37 = arith.constant 3 : i32
    %mul3A_38 = arith.muli %select_n3A, %mul3A_37 : i32
    %add3A_39 = arith.constant 0 : i32
    %add3A_40 = arith.addi %mul3A_38, %add3A_39 : i32
    %mul3A_41 = arith.constant 4096 : i32
    %mul3A_42 = arith.muli %add3A_40, %mul3A_41 : i32
    "tpu.region"() ({
      %run_scoped3A = tpu.sem_alloc : memref<!tpu.dma_semaphore, #tpu.memory_space<semaphore_mem>>
      %dma_start3A = tpu.memref_slice %arg2[%mul3A_42] : memref<49152xf32, #tpu.memory_space<hbm>> -> memref<4096xf32, #tpu.memory_space<hbm>>
      %dma_start3A_70 = tpu.memref_slice %arg2[%mul3A_42] : memref<49152xf32, #tpu.memory_space<hbm>> -> memref<4096xf32, #tpu.memory_space<hbm>>
      tpu.enqueue_dma source(%dma_start3A_70 : memref<4096xf32, #tpu.memory_space<hbm>>) target(%arg6 : memref<4096xf32, #tpu.memory_space<vmem>>) target_semaphore(%run_scoped3A : memref<!tpu.dma_semaphore, #tpu.memory_space<semaphore_mem>>)
      %dma_wait3A = tpu.memref_slice %arg2[%mul3A_42] : memref<49152xf32, #tpu.memory_space<hbm>> -> memref<4096xf32, #tpu.memory_space<hbm>>
      %dma_wait3A_71 = tpu.memref_slice %arg2[%mul3A_42] : memref<49152xf32, #tpu.memory_space<hbm>> -> memref<4096xf32, #tpu.memory_space<hbm>>
      tpu.wait_dma2 semaphore(%run_scoped3A : memref<!tpu.dma_semaphore, #tpu.memory_space<semaphore_mem>>) src(%dma_wait3A_71 : memref<4096xf32, #tpu.memory_space<hbm>>) dst(%arg6 : memref<4096xf32, #tpu.memory_space<vmem>>)
      tpu.yield
    }) : () -> ()
    %mul3A_43 = arith.constant 3 : i32
    %mul3A_44 = arith.muli %select_n3A, %mul3A_43 : i32
    %add3A_45 = arith.constant 1 : i32
    %add3A_46 = arith.addi %mul3A_44, %add3A_45 : i32
    %mul3A_47 = arith.constant 4096 : i32
    %mul3A_48 = arith.muli %add3A_46, %mul3A_47 : i32
    "tpu.region"() ({
      %run_scoped3A = tpu.sem_alloc : memref<!tpu.dma_semaphore, #tpu.memory_space<semaphore_mem>>
      %dma_start3A = tpu.memref_slice %arg2[%mul3A_48] : memref<49152xf32, #tpu.memory_space<hbm>> -> memref<4096xf32, #tpu.memory_space<hbm>>
      %dma_start3A_70 = tpu.memref_slice %arg2[%mul3A_48] : memref<49152xf32, #tpu.memory_space<hbm>> -> memref<4096xf32, #tpu.memory_space<hbm>>
      tpu.enqueue_dma source(%dma_start3A_70 : memref<4096xf32, #tpu.memory_space<hbm>>) target(%arg7 : memref<4096xf32, #tpu.memory_space<vmem>>) target_semaphore(%run_scoped3A : memref<!tpu.dma_semaphore, #tpu.memory_space<semaphore_mem>>)
      %dma_wait3A = tpu.memref_slice %arg2[%mul3A_48] : memref<49152xf32, #tpu.memory_space<hbm>> -> memref<4096xf32, #tpu.memory_space<hbm>>
      %dma_wait3A_71 = tpu.memref_slice %arg2[%mul3A_48] : memref<49152xf32, #tpu.memory_space<hbm>> -> memref<4096xf32, #tpu.memory_space<hbm>>
      tpu.wait_dma2 semaphore(%run_scoped3A : memref<!tpu.dma_semaphore, #tpu.memory_space<semaphore_mem>>) src(%dma_wait3A_71 : memref<4096xf32, #tpu.memory_space<hbm>>) dst(%arg7 : memref<4096xf32, #tpu.memory_space<vmem>>)
      tpu.yield
    }) : () -> ()
    %mul3A_49 = arith.constant 3 : i32
    %mul3A_50 = arith.muli %select_n3A, %mul3A_49 : i32
    %add3A_51 = arith.constant 2 : i32
    %add3A_52 = arith.addi %mul3A_50, %add3A_51 : i32
    %mul3A_53 = arith.constant 4096 : i32
    %mul3A_54 = arith.muli %add3A_52, %mul3A_53 : i32
    "tpu.region"() ({
      %run_scoped3A = tpu.sem_alloc : memref<!tpu.dma_semaphore, #tpu.memory_space<semaphore_mem>>
      %dma_start3A = tpu.memref_slice %arg2[%mul3A_54] : memref<49152xf32, #tpu.memory_space<hbm>> -> memref<4096xf32, #tpu.memory_space<hbm>>
      %dma_start3A_70 = tpu.memref_slice %arg2[%mul3A_54] : memref<49152xf32, #tpu.memory_space<hbm>> -> memref<4096xf32, #tpu.memory_space<hbm>>
      tpu.enqueue_dma source(%dma_start3A_70 : memref<4096xf32, #tpu.memory_space<hbm>>) target(%arg8 : memref<4096xf32, #tpu.memory_space<vmem>>) target_semaphore(%run_scoped3A : memref<!tpu.dma_semaphore, #tpu.memory_space<semaphore_mem>>)
      %dma_wait3A = tpu.memref_slice %arg2[%mul3A_54] : memref<49152xf32, #tpu.memory_space<hbm>> -> memref<4096xf32, #tpu.memory_space<hbm>>
      %dma_wait3A_71 = tpu.memref_slice %arg2[%mul3A_54] : memref<49152xf32, #tpu.memory_space<hbm>> -> memref<4096xf32, #tpu.memory_space<hbm>>
      tpu.wait_dma2 semaphore(%run_scoped3A : memref<!tpu.dma_semaphore, #tpu.memory_space<semaphore_mem>>) src(%dma_wait3A_71 : memref<4096xf32, #tpu.memory_space<hbm>>) dst(%arg8 : memref<4096xf32, #tpu.memory_space<vmem>>)
      tpu.yield
    }) : () -> ()
    %scan3A = arith.constant 0 : i32
    %scan3A_55 = arith.constant 0 : i32
    %scan3A_56 = arith.constant 512 : i32
    %scan3A_57 = arith.addi %scan3A_55, %scan3A_56 : i32
    %scan3A_58 = arith.constant 1 : i32
    scf.for %scan3A_70 = %scan3A_55 to %scan3A_57 step %scan3A_58  : i32 {
      %mul3A_71 = arith.constant 16 : i32
      %mul3A_72 = arith.muli %scan3A_70, %mul3A_71 : i32
      %get3A = arith.index_cast %mul3A_72 : i32 to index
      %get3A_73 = tpu.vector_load %arg5[%get3A] {strides = array<i32>} : memref<8192xi32, #tpu.memory_space<vmem>>, vector<16xi32>,
      %add3A_74 = arith.addi %mul3A_32, %scan3A_70 : i32
      %broadcast_in_dim3A = vector.broadcast %add3A_74 : i32 to vector<16xi32>
      %gather3A = tpu.vector_load_idx %arg6[%get3A_73] : memref<4096xf32, #tpu.memory_space<vmem>>[vector<16xi32>], vector<16xf32>,
      %gather3A_75 = tpu.vector_load_idx %arg6[%broadcast_in_dim3A] : memref<4096xf32, #tpu.memory_space<vmem>>[vector<16xi32>], vector<16xf32>,
      %sub3A_76 = arith.subf %gather3A, %gather3A_75 : vector<16xf32>
      %mul3A_77 = arith.constant 16 : i32
      %mul3A_78 = arith.muli %scan3A_70, %mul3A_77 : i32
      %swap3A = arith.index_cast %mul3A_78 : i32 to index
      %swap3A_79 = tpu.vector_load %arg9[%swap3A] {strides = array<i32>} : memref<8192xf32, #tpu.memory_space<vmem>>, vector<16xf32>,
      tpu.vector_store %arg9[%swap3A], %sub3A_76 {strides = array<i32>} : memref<8192xf32, #tpu.memory_space<vmem>>, vector<16xf32>,
      %gather3A_80 = tpu.vector_load_idx %arg7[%get3A_73] : memref<4096xf32, #tpu.memory_space<vmem>>[vector<16xi32>], vector<16xf32>,
      %gather3A_81 = tpu.vector_load_idx %arg7[%broadcast_in_dim3A] : memref<4096xf32, #tpu.memory_space<vmem>>[vector<16xi32>], vector<16xf32>,
      %sub3A_82 = arith.subf %gather3A_80, %gather3A_81 : vector<16xf32>
      %mul3A_83 = arith.constant 16 : i32
      %mul3A_84 = arith.muli %scan3A_70, %mul3A_83 : i32
      %swap3A_85 = arith.index_cast %mul3A_84 : i32 to index
      %swap3A_86 = tpu.vector_load %arg10[%swap3A_85] {strides = array<i32>} : memref<8192xf32, #tpu.memory_space<vmem>>, vector<16xf32>,
      tpu.vector_store %arg10[%swap3A_85], %sub3A_82 {strides = array<i32>} : memref<8192xf32, #tpu.memory_space<vmem>>, vector<16xf32>,
      %gather3A_87 = tpu.vector_load_idx %arg8[%get3A_73] : memref<4096xf32, #tpu.memory_space<vmem>>[vector<16xi32>], vector<16xf32>,
      %gather3A_88 = tpu.vector_load_idx %arg8[%broadcast_in_dim3A] : memref<4096xf32, #tpu.memory_space<vmem>>[vector<16xi32>], vector<16xf32>,
      %sub3A_89 = arith.subf %gather3A_87, %gather3A_88 : vector<16xf32>
      %mul3A_90 = arith.constant 16 : i32
      %mul3A_91 = arith.muli %scan3A_70, %mul3A_90 : i32
      %swap3A_92 = arith.index_cast %mul3A_91 : i32 to index
      %swap3A_93 = tpu.vector_load %arg11[%swap3A_92] {strides = array<i32>} : memref<8192xf32, #tpu.memory_space<vmem>>, vector<16xf32>,
      tpu.vector_store %arg11[%swap3A_92], %sub3A_89 {strides = array<i32>} : memref<8192xf32, #tpu.memory_space<vmem>>, vector<16xf32>,
    }
    %scan3A_59 = arith.constant 512 : i32
    %mul3A_60 = arith.constant 512 : i32
    %mul3A_61 = arith.muli %add3A, %mul3A_60 : i32
    %mul3A_62 = arith.constant 16 : i32
    %mul3A_63 = arith.muli %mul3A_61, %mul3A_62 : i32
    %add3A_64 = arith.constant 0 : i32
    %add3A_65 = arith.addi %add3A_64, %mul3A_63 : i32
    "tpu.region"() ({
      %run_scoped3A = tpu.sem_alloc : memref<!tpu.dma_semaphore, #tpu.memory_space<semaphore_mem>>
      %dma_start3A = tpu.memref_slice %arg4[%add3A_65] : memref<786432xf32, #tpu.memory_space<hbm>> -> memref<8192xf32, #tpu.memory_space<hbm>>
      %dma_start3A_70 = tpu.memref_slice %arg4[%add3A_65] : memref<786432xf32, #tpu.memory_space<hbm>> -> memref<8192xf32, #tpu.memory_space<hbm>>
      tpu.enqueue_dma source(%arg9 : memref<8192xf32, #tpu.memory_space<vmem>>) target(%dma_start3A_70 : memref<8192xf32, #tpu.memory_space<hbm>>) target_semaphore(%run_scoped3A : memref<!tpu.dma_semaphore, #tpu.memory_space<semaphore_mem>>)
      %dma_wait3A = tpu.memref_slice %arg4[%add3A_65] : memref<786432xf32, #tpu.memory_space<hbm>> -> memref<8192xf32, #tpu.memory_space<hbm>>
      %dma_wait3A_71 = tpu.memref_slice %arg4[%add3A_65] : memref<786432xf32, #tpu.memory_space<hbm>> -> memref<8192xf32, #tpu.memory_space<hbm>>
      tpu.wait_dma2 semaphore(%run_scoped3A : memref<!tpu.dma_semaphore, #tpu.memory_space<semaphore_mem>>) src(%arg9 : memref<8192xf32, #tpu.memory_space<vmem>>) dst(%dma_wait3A_71 : memref<8192xf32, #tpu.memory_space<hbm>>)
      tpu.yield
    }) : () -> ()
    %add3A_66 = arith.constant 262144 : i32
    %add3A_67 = arith.addi %add3A_66, %mul3A_63 : i32
    "tpu.region"() ({
      %run_scoped3A = tpu.sem_alloc : memref<!tpu.dma_semaphore, #tpu.memory_space<semaphore_mem>>
      %dma_start3A = tpu.memref_slice %arg4[%add3A_67] : memref<786432xf32, #tpu.memory_space<hbm>> -> memref<8192xf32, #tpu.memory_space<hbm>>
      %dma_start3A_70 = tpu.memref_slice %arg4[%add3A_67] : memref<786432xf32, #tpu.memory_space<hbm>> -> memref<8192xf32, #tpu.memory_space<hbm>>
      tpu.enqueue_dma source(%arg10 : memref<8192xf32, #tpu.memory_space<vmem>>) target(%dma_start3A_70 : memref<8192xf32, #tpu.memory_space<hbm>>) target_semaphore(%run_scoped3A : memref<!tpu.dma_semaphore, #tpu.memory_space<semaphore_mem>>)
      %dma_wait3A = tpu.memref_slice %arg4[%add3A_67] : memref<786432xf32, #tpu.memory_space<hbm>> -> memref<8192xf32, #tpu.memory_space<hbm>>
      %dma_wait3A_71 = tpu.memref_slice %arg4[%add3A_67] : memref<786432xf32, #tpu.memory_space<hbm>> -> memref<8192xf32, #tpu.memory_space<hbm>>
      tpu.wait_dma2 semaphore(%run_scoped3A : memref<!tpu.dma_semaphore, #tpu.memory_space<semaphore_mem>>) src(%arg10 : memref<8192xf32, #tpu.memory_space<vmem>>) dst(%dma_wait3A_71 : memref<8192xf32, #tpu.memory_space<hbm>>)
      tpu.yield
    }) : () -> ()
    %add3A_68 = arith.constant 524288 : i32
    %add3A_69 = arith.addi %add3A_68, %mul3A_63 : i32
    "tpu.region"() ({
      %run_scoped3A = tpu.sem_alloc : memref<!tpu.dma_semaphore, #tpu.memory_space<semaphore_mem>>
      %dma_start3A = tpu.memref_slice %arg4[%add3A_69] : memref<786432xf32, #tpu.memory_space<hbm>> -> memref<8192xf32, #tpu.memory_space<hbm>>
      %dma_start3A_70 = tpu.memref_slice %arg4[%add3A_69] : memref<786432xf32, #tpu.memory_space<hbm>> -> memref<8192xf32, #tpu.memory_space<hbm>>
      tpu.enqueue_dma source(%arg11 : memref<8192xf32, #tpu.memory_space<vmem>>) target(%dma_start3A_70 : memref<8192xf32, #tpu.memory_space<hbm>>) target_semaphore(%run_scoped3A : memref<!tpu.dma_semaphore, #tpu.memory_space<semaphore_mem>>)
      %dma_wait3A = tpu.memref_slice %arg4[%add3A_69] : memref<786432xf32, #tpu.memory_space<hbm>> -> memref<8192xf32, #tpu.memory_space<hbm>>
      %dma_wait3A_71 = tpu.memref_slice %arg4[%add3A_69] : memref<786432xf32, #tpu.memory_space<hbm>> -> memref<8192xf32, #tpu.memory_space<hbm>>
      tpu.wait_dma2 semaphore(%run_scoped3A : memref<!tpu.dma_semaphore, #tpu.memory_space<semaphore_mem>>) src(%arg11 : memref<8192xf32, #tpu.memory_space<vmem>>) dst(%dma_wait3A_71 : memref<8192xf32, #tpu.memory_space<hbm>>)
      tpu.yield
    }) : () -> ()
    return
  }
}

module attributes {stable_mosaic.version = 14 : i64} {
  func.func @_knn_body(%arg0: i32, %arg1: i32, %arg2: memref<1x3x4096xf32, #tpu.memory_space<vmem>>, %arg3: memref<1x256x3xf32, #tpu.memory_space<vmem>>, %arg4: memref<1x256x16xi32, #tpu.memory_space<vmem>>) attributes {dimension_semantics = [#tpu.dimension_semantics<parallel>, #tpu.dimension_semantics<parallel>], iteration_bounds = array<i64: 4, 16>, scalar_prefetch = 0 : i64, scratch_operands = 0 : i64, tpu.core_type = #tpu.core_type<tc>, window_params = [{transform_indices = @transform_0, window_bounds = array<i64: 1, 3, 4096>}, {transform_indices = @transform_1, window_bounds = array<i64: 1, 256, 3>}, {transform_indices = @transform_2, window_bounds = array<i64: 1, 256, 16>}]} {
    %get3A = arith.constant 0 : index
    %get3A_0 = arith.constant 0 : index
    %get3A_1 = arith.constant 0 : index
    %get3A_2 = vector.load %arg3[%get3A, %get3A_0, %get3A_1] : memref<1x256x3xf32, #tpu.memory_space<vmem>>, vector<1x256x3xf32>
    %get3A_3 = vector.shape_cast %get3A_2 : vector<1x256x3xf32> to vector<256x3xf32>
    %get3A_4 = arith.constant 0 : index
    %get3A_5 = arith.constant 0 : index
    %get3A_6 = arith.constant 0 : index
    %get3A_7 = vector.load %arg2[%get3A_4, %get3A_5, %get3A_6] : memref<1x3x4096xf32, #tpu.memory_space<vmem>>, vector<1x1x4096xf32>
    %get3A_8 = vector.shape_cast %get3A_7 : vector<1x1x4096xf32> to vector<1x4096xf32>
    %get3A_9 = arith.constant 0 : index
    %get3A_10 = arith.constant 1 : index
    %get3A_11 = arith.constant 0 : index
    %get3A_12 = vector.load %arg2[%get3A_9, %get3A_10, %get3A_11] : memref<1x3x4096xf32, #tpu.memory_space<vmem>>, vector<1x1x4096xf32>
    %get3A_13 = vector.shape_cast %get3A_12 : vector<1x1x4096xf32> to vector<1x4096xf32>
    %get3A_14 = arith.constant 0 : index
    %get3A_15 = arith.constant 2 : index
    %get3A_16 = arith.constant 0 : index
    %get3A_17 = vector.load %arg2[%get3A_14, %get3A_15, %get3A_16] : memref<1x3x4096xf32, #tpu.memory_space<vmem>>, vector<1x1x4096xf32>
    %get3A_18 = vector.shape_cast %get3A_17 : vector<1x1x4096xf32> to vector<1x4096xf32>
    %slice3A = vector.extract_strided_slice %get3A_3 {offsets = [0, 0], sizes = [256, 1], strides = [1, 1]} : vector<256x3xf32> to vector<256x1xf32>
    %sub3A = vector.broadcast %slice3A : vector<256x1xf32> to vector<256x4096xf32>
    %sub3A_19 = vector.broadcast %get3A_8 : vector<1x4096xf32> to vector<256x4096xf32>
    %sub3A_20 = arith.subf %sub3A, %sub3A_19 : vector<256x4096xf32>
    %slice3A_21 = vector.extract_strided_slice %get3A_3 {offsets = [0, 1], sizes = [256, 1], strides = [1, 1]} : vector<256x3xf32> to vector<256x1xf32>
    %sub3A_22 = vector.broadcast %slice3A_21 : vector<256x1xf32> to vector<256x4096xf32>
    %sub3A_23 = vector.broadcast %get3A_13 : vector<1x4096xf32> to vector<256x4096xf32>
    %sub3A_24 = arith.subf %sub3A_22, %sub3A_23 : vector<256x4096xf32>
    %slice3A_25 = vector.extract_strided_slice %get3A_3 {offsets = [0, 2], sizes = [256, 1], strides = [1, 1]} : vector<256x3xf32> to vector<256x1xf32>
    %sub3A_26 = vector.broadcast %slice3A_25 : vector<256x1xf32> to vector<256x4096xf32>
    %sub3A_27 = vector.broadcast %get3A_18 : vector<1x4096xf32> to vector<256x4096xf32>
    %sub3A_28 = arith.subf %sub3A_26, %sub3A_27 : vector<256x4096xf32>
    %mul3A = arith.mulf %sub3A_20, %sub3A_20 : vector<256x4096xf32>
    %mul3A_29 = arith.mulf %sub3A_24, %sub3A_24 : vector<256x4096xf32>
    %add3A = arith.addf %mul3A, %mul3A_29 : vector<256x4096xf32>
    %mul3A_30 = arith.mulf %sub3A_28, %sub3A_28 : vector<256x4096xf32>
    %add3A_31 = arith.addf %add3A, %mul3A_30 : vector<256x4096xf32>
    %iota3A = tpu.iota {dimensions = array<i32: 1>} : vector<256x4096xi32>
    %convert_element_type3A = arith.sitofp %iota3A : vector<256x4096xi32> to vector<256x4096xf32>
    %iota3A_32 = tpu.iota {dimensions = array<i32: 0>} : vector<256x4096xi32>
    %mul3A_33 = arith.constant 256 : i32
    %mul3A_34 = arith.muli %arg1, %mul3A_33 : i32
    %add3A_35 = vector.broadcast %mul3A_34 : i32 to vector<256x4096xi32>
    %add3A_36 = arith.addi %iota3A_32, %add3A_35 : vector<256x4096xi32>
    %eq3A = arith.cmpi eq, %iota3A, %add3A_36 : vector<256x4096xi32>
    %jit3A = arith.constant 0x7F800000 : f32
    %broadcast_in_dim3A = vector.broadcast %jit3A : f32 to vector<256x4096xf32>
    %select_n3A = arith.select %eq3A, %broadcast_in_dim3A, %add3A_31 : vector<256x4096xi1>, vector<256x4096xf32>
    %reduce_min3A = arith.constant dense<0x7F800000> : vector<256xf32>
    %reduce_min3A_37 = vector.multi_reduction <minimumf>, %select_n3A, %reduce_min3A [1] : vector<256x4096xf32> to vector<256xf32>
    %broadcast_in_dim3A_38 = vector.shape_cast %reduce_min3A_37 : vector<256xf32> to vector<256x1xf32>
    %eq3A_39 = vector.broadcast %broadcast_in_dim3A_38 : vector<256x1xf32> to vector<256x4096xf32>
    %eq3A_40 = arith.cmpf oeq, %select_n3A, %eq3A_39 : vector<256x4096xf32>
    %jit3A_41 = arith.constant 4.096000e+03 : f32
    %broadcast_in_dim3A_42 = vector.broadcast %jit3A_41 : f32 to vector<256x4096xf32>
    %select_n3A_43 = arith.select %eq3A_40, %convert_element_type3A, %broadcast_in_dim3A_42 : vector<256x4096xi1>, vector<256x4096xf32>
    %reduce_min3A_44 = arith.constant dense<0x7F800000> : vector<256xf32>
    %reduce_min3A_45 = vector.multi_reduction <minimumf>, %select_n3A_43, %reduce_min3A_44 [1] : vector<256x4096xf32> to vector<256xf32>
    %broadcast_in_dim3A_46 = vector.shape_cast %reduce_min3A_45 : vector<256xf32> to vector<256x1xf32>
    %convert_element_type3A_47 = arith.fptosi %broadcast_in_dim3A_46 : vector<256x1xf32> to vector<256x1xi32>
    %swap3A = arith.constant 0 : index
    %swap3A_48 = arith.constant 0 : index
    %swap3A_49 = arith.constant 0 : index
    %swap3A_50 = vector.load %arg4[%swap3A, %swap3A_48, %swap3A_49] : memref<1x256x16xi32, #tpu.memory_space<vmem>>, vector<1x256x1xi32>
    %swap3A_51 = vector.shape_cast %swap3A_50 : vector<1x256x1xi32> to vector<256x1xi32>
    %swap3A_52 = vector.shape_cast %convert_element_type3A_47 : vector<256x1xi32> to vector<1x256x1xi32>
    tpu.vector_store %arg4[%swap3A, %swap3A_48, %swap3A_49], %swap3A_52 {strides = array<i32>} : memref<1x256x16xi32, #tpu.memory_space<vmem>>, vector<1x256x1xi32>,
    %eq3A_53 = vector.broadcast %broadcast_in_dim3A_46 : vector<256x1xf32> to vector<256x4096xf32>
    %eq3A_54 = arith.cmpf oeq, %convert_element_type3A, %eq3A_53 : vector<256x4096xf32>
    %jit3A_55 = arith.constant 0x7F800000 : f32
    %broadcast_in_dim3A_56 = vector.broadcast %jit3A_55 : f32 to vector<256x4096xf32>
    %select_n3A_57 = arith.select %eq3A_54, %broadcast_in_dim3A_56, %select_n3A : vector<256x4096xi1>, vector<256x4096xf32>
    %reduce_min3A_58 = arith.constant dense<0x7F800000> : vector<256xf32>
    %reduce_min3A_59 = vector.multi_reduction <minimumf>, %select_n3A_57, %reduce_min3A_58 [1] : vector<256x4096xf32> to vector<256xf32>
    %broadcast_in_dim3A_60 = vector.shape_cast %reduce_min3A_59 : vector<256xf32> to vector<256x1xf32>
    %eq3A_61 = vector.broadcast %broadcast_in_dim3A_60 : vector<256x1xf32> to vector<256x4096xf32>
    %eq3A_62 = arith.cmpf oeq, %select_n3A_57, %eq3A_61 : vector<256x4096xf32>
    %jit3A_63 = arith.constant 4.096000e+03 : f32
    %broadcast_in_dim3A_64 = vector.broadcast %jit3A_63 : f32 to vector<256x4096xf32>
    %select_n3A_65 = arith.select %eq3A_62, %convert_element_type3A, %broadcast_in_dim3A_64 : vector<256x4096xi1>, vector<256x4096xf32>
    %reduce_min3A_66 = arith.constant dense<0x7F800000> : vector<256xf32>
    %reduce_min3A_67 = vector.multi_reduction <minimumf>, %select_n3A_65, %reduce_min3A_66 [1] : vector<256x4096xf32> to vector<256xf32>
    %broadcast_in_dim3A_68 = vector.shape_cast %reduce_min3A_67 : vector<256xf32> to vector<256x1xf32>
    %convert_element_type3A_69 = arith.fptosi %broadcast_in_dim3A_68 : vector<256x1xf32> to vector<256x1xi32>
    %swap3A_70 = arith.constant 0 : index
    %swap3A_71 = arith.constant 0 : index
    %swap3A_72 = arith.constant 1 : index
    %swap3A_73 = vector.load %arg4[%swap3A_70, %swap3A_71, %swap3A_72] : memref<1x256x16xi32, #tpu.memory_space<vmem>>, vector<1x256x1xi32>
    %swap3A_74 = vector.shape_cast %swap3A_73 : vector<1x256x1xi32> to vector<256x1xi32>
    %swap3A_75 = vector.shape_cast %convert_element_type3A_69 : vector<256x1xi32> to vector<1x256x1xi32>
    tpu.vector_store %arg4[%swap3A_70, %swap3A_71, %swap3A_72], %swap3A_75 {strides = array<i32>} : memref<1x256x16xi32, #tpu.memory_space<vmem>>, vector<1x256x1xi32>,
    %eq3A_76 = vector.broadcast %broadcast_in_dim3A_68 : vector<256x1xf32> to vector<256x4096xf32>
    %eq3A_77 = arith.cmpf oeq, %convert_element_type3A, %eq3A_76 : vector<256x4096xf32>
    %jit3A_78 = arith.constant 0x7F800000 : f32
    %broadcast_in_dim3A_79 = vector.broadcast %jit3A_78 : f32 to vector<256x4096xf32>
    %select_n3A_80 = arith.select %eq3A_77, %broadcast_in_dim3A_79, %select_n3A_57 : vector<256x4096xi1>, vector<256x4096xf32>
    %reduce_min3A_81 = arith.constant dense<0x7F800000> : vector<256xf32>
    %reduce_min3A_82 = vector.multi_reduction <minimumf>, %select_n3A_80, %reduce_min3A_81 [1] : vector<256x4096xf32> to vector<256xf32>
    %broadcast_in_dim3A_83 = vector.shape_cast %reduce_min3A_82 : vector<256xf32> to vector<256x1xf32>
    %eq3A_84 = vector.broadcast %broadcast_in_dim3A_83 : vector<256x1xf32> to vector<256x4096xf32>
    %eq3A_85 = arith.cmpf oeq, %select_n3A_80, %eq3A_84 : vector<256x4096xf32>
    %jit3A_86 = arith.constant 4.096000e+03 : f32
    %broadcast_in_dim3A_87 = vector.broadcast %jit3A_86 : f32 to vector<256x4096xf32>
    %select_n3A_88 = arith.select %eq3A_85, %convert_element_type3A, %broadcast_in_dim3A_87 : vector<256x4096xi1>, vector<256x4096xf32>
    %reduce_min3A_89 = arith.constant dense<0x7F800000> : vector<256xf32>
    %reduce_min3A_90 = vector.multi_reduction <minimumf>, %select_n3A_88, %reduce_min3A_89 [1] : vector<256x4096xf32> to vector<256xf32>
    %broadcast_in_dim3A_91 = vector.shape_cast %reduce_min3A_90 : vector<256xf32> to vector<256x1xf32>
    %convert_element_type3A_92 = arith.fptosi %broadcast_in_dim3A_91 : vector<256x1xf32> to vector<256x1xi32>
    %swap3A_93 = arith.constant 0 : index
    %swap3A_94 = arith.constant 0 : index
    %swap3A_95 = arith.constant 2 : index
    %swap3A_96 = vector.load %arg4[%swap3A_93, %swap3A_94, %swap3A_95] : memref<1x256x16xi32, #tpu.memory_space<vmem>>, vector<1x256x1xi32>
    %swap3A_97 = vector.shape_cast %swap3A_96 : vector<1x256x1xi32> to vector<256x1xi32>
    %swap3A_98 = vector.shape_cast %convert_element_type3A_92 : vector<256x1xi32> to vector<1x256x1xi32>
    tpu.vector_store %arg4[%swap3A_93, %swap3A_94, %swap3A_95], %swap3A_98 {strides = array<i32>} : memref<1x256x16xi32, #tpu.memory_space<vmem>>, vector<1x256x1xi32>,
    %eq3A_99 = vector.broadcast %broadcast_in_dim3A_91 : vector<256x1xf32> to vector<256x4096xf32>
    %eq3A_100 = arith.cmpf oeq, %convert_element_type3A, %eq3A_99 : vector<256x4096xf32>
    %jit3A_101 = arith.constant 0x7F800000 : f32
    %broadcast_in_dim3A_102 = vector.broadcast %jit3A_101 : f32 to vector<256x4096xf32>
    %select_n3A_103 = arith.select %eq3A_100, %broadcast_in_dim3A_102, %select_n3A_80 : vector<256x4096xi1>, vector<256x4096xf32>
    %reduce_min3A_104 = arith.constant dense<0x7F800000> : vector<256xf32>
    %reduce_min3A_105 = vector.multi_reduction <minimumf>, %select_n3A_103, %reduce_min3A_104 [1] : vector<256x4096xf32> to vector<256xf32>
    %broadcast_in_dim3A_106 = vector.shape_cast %reduce_min3A_105 : vector<256xf32> to vector<256x1xf32>
    %eq3A_107 = vector.broadcast %broadcast_in_dim3A_106 : vector<256x1xf32> to vector<256x4096xf32>
    %eq3A_108 = arith.cmpf oeq, %select_n3A_103, %eq3A_107 : vector<256x4096xf32>
    %jit3A_109 = arith.constant 4.096000e+03 : f32
    %broadcast_in_dim3A_110 = vector.broadcast %jit3A_109 : f32 to vector<256x4096xf32>
    %select_n3A_111 = arith.select %eq3A_108, %convert_element_type3A, %broadcast_in_dim3A_110 : vector<256x4096xi1>, vector<256x4096xf32>
    %reduce_min3A_112 = arith.constant dense<0x7F800000> : vector<256xf32>
    %reduce_min3A_113 = vector.multi_reduction <minimumf>, %select_n3A_111, %reduce_min3A_112 [1] : vector<256x4096xf32> to vector<256xf32>
    %broadcast_in_dim3A_114 = vector.shape_cast %reduce_min3A_113 : vector<256xf32> to vector<256x1xf32>
    %convert_element_type3A_115 = arith.fptosi %broadcast_in_dim3A_114 : vector<256x1xf32> to vector<256x1xi32>
    %swap3A_116 = arith.constant 0 : index
    %swap3A_117 = arith.constant 0 : index
    %swap3A_118 = arith.constant 3 : index
    %swap3A_119 = vector.load %arg4[%swap3A_116, %swap3A_117, %swap3A_118] : memref<1x256x16xi32, #tpu.memory_space<vmem>>, vector<1x256x1xi32>
    %swap3A_120 = vector.shape_cast %swap3A_119 : vector<1x256x1xi32> to vector<256x1xi32>
    %swap3A_121 = vector.shape_cast %convert_element_type3A_115 : vector<256x1xi32> to vector<1x256x1xi32>
    tpu.vector_store %arg4[%swap3A_116, %swap3A_117, %swap3A_118], %swap3A_121 {strides = array<i32>} : memref<1x256x16xi32, #tpu.memory_space<vmem>>, vector<1x256x1xi32>,
    %eq3A_122 = vector.broadcast %broadcast_in_dim3A_114 : vector<256x1xf32> to vector<256x4096xf32>
    %eq3A_123 = arith.cmpf oeq, %convert_element_type3A, %eq3A_122 : vector<256x4096xf32>
    %jit3A_124 = arith.constant 0x7F800000 : f32
    %broadcast_in_dim3A_125 = vector.broadcast %jit3A_124 : f32 to vector<256x4096xf32>
    %select_n3A_126 = arith.select %eq3A_123, %broadcast_in_dim3A_125, %select_n3A_103 : vector<256x4096xi1>, vector<256x4096xf32>
    %reduce_min3A_127 = arith.constant dense<0x7F800000> : vector<256xf32>
    %reduce_min3A_128 = vector.multi_reduction <minimumf>, %select_n3A_126, %reduce_min3A_127 [1] : vector<256x4096xf32> to vector<256xf32>
    %broadcast_in_dim3A_129 = vector.shape_cast %reduce_min3A_128 : vector<256xf32> to vector<256x1xf32>
    %eq3A_130 = vector.broadcast %broadcast_in_dim3A_129 : vector<256x1xf32> to vector<256x4096xf32>
    %eq3A_131 = arith.cmpf oeq, %select_n3A_126, %eq3A_130 : vector<256x4096xf32>
    %jit3A_132 = arith.constant 4.096000e+03 : f32
    %broadcast_in_dim3A_133 = vector.broadcast %jit3A_132 : f32 to vector<256x4096xf32>
    %select_n3A_134 = arith.select %eq3A_131, %convert_element_type3A, %broadcast_in_dim3A_133 : vector<256x4096xi1>, vector<256x4096xf32>
    %reduce_min3A_135 = arith.constant dense<0x7F800000> : vector<256xf32>
    %reduce_min3A_136 = vector.multi_reduction <minimumf>, %select_n3A_134, %reduce_min3A_135 [1] : vector<256x4096xf32> to vector<256xf32>
    %broadcast_in_dim3A_137 = vector.shape_cast %reduce_min3A_136 : vector<256xf32> to vector<256x1xf32>
    %convert_element_type3A_138 = arith.fptosi %broadcast_in_dim3A_137 : vector<256x1xf32> to vector<256x1xi32>
    %swap3A_139 = arith.constant 0 : index
    %swap3A_140 = arith.constant 0 : index
    %swap3A_141 = arith.constant 4 : index
    %swap3A_142 = vector.load %arg4[%swap3A_139, %swap3A_140, %swap3A_141] : memref<1x256x16xi32, #tpu.memory_space<vmem>>, vector<1x256x1xi32>
    %swap3A_143 = vector.shape_cast %swap3A_142 : vector<1x256x1xi32> to vector<256x1xi32>
    %swap3A_144 = vector.shape_cast %convert_element_type3A_138 : vector<256x1xi32> to vector<1x256x1xi32>
    tpu.vector_store %arg4[%swap3A_139, %swap3A_140, %swap3A_141], %swap3A_144 {strides = array<i32>} : memref<1x256x16xi32, #tpu.memory_space<vmem>>, vector<1x256x1xi32>,
    %eq3A_145 = vector.broadcast %broadcast_in_dim3A_137 : vector<256x1xf32> to vector<256x4096xf32>
    %eq3A_146 = arith.cmpf oeq, %convert_element_type3A, %eq3A_145 : vector<256x4096xf32>
    %jit3A_147 = arith.constant 0x7F800000 : f32
    %broadcast_in_dim3A_148 = vector.broadcast %jit3A_147 : f32 to vector<256x4096xf32>
    %select_n3A_149 = arith.select %eq3A_146, %broadcast_in_dim3A_148, %select_n3A_126 : vector<256x4096xi1>, vector<256x4096xf32>
    %reduce_min3A_150 = arith.constant dense<0x7F800000> : vector<256xf32>
    %reduce_min3A_151 = vector.multi_reduction <minimumf>, %select_n3A_149, %reduce_min3A_150 [1] : vector<256x4096xf32> to vector<256xf32>
    %broadcast_in_dim3A_152 = vector.shape_cast %reduce_min3A_151 : vector<256xf32> to vector<256x1xf32>
    %eq3A_153 = vector.broadcast %broadcast_in_dim3A_152 : vector<256x1xf32> to vector<256x4096xf32>
    %eq3A_154 = arith.cmpf oeq, %select_n3A_149, %eq3A_153 : vector<256x4096xf32>
    %jit3A_155 = arith.constant 4.096000e+03 : f32
    %broadcast_in_dim3A_156 = vector.broadcast %jit3A_155 : f32 to vector<256x4096xf32>
    %select_n3A_157 = arith.select %eq3A_154, %convert_element_type3A, %broadcast_in_dim3A_156 : vector<256x4096xi1>, vector<256x4096xf32>
    %reduce_min3A_158 = arith.constant dense<0x7F800000> : vector<256xf32>
    %reduce_min3A_159 = vector.multi_reduction <minimumf>, %select_n3A_157, %reduce_min3A_158 [1] : vector<256x4096xf32> to vector<256xf32>
    %broadcast_in_dim3A_160 = vector.shape_cast %reduce_min3A_159 : vector<256xf32> to vector<256x1xf32>
    %convert_element_type3A_161 = arith.fptosi %broadcast_in_dim3A_160 : vector<256x1xf32> to vector<256x1xi32>
    %swap3A_162 = arith.constant 0 : index
    %swap3A_163 = arith.constant 0 : index
    %swap3A_164 = arith.constant 5 : index
    %swap3A_165 = vector.load %arg4[%swap3A_162, %swap3A_163, %swap3A_164] : memref<1x256x16xi32, #tpu.memory_space<vmem>>, vector<1x256x1xi32>
    %swap3A_166 = vector.shape_cast %swap3A_165 : vector<1x256x1xi32> to vector<256x1xi32>
    %swap3A_167 = vector.shape_cast %convert_element_type3A_161 : vector<256x1xi32> to vector<1x256x1xi32>
    tpu.vector_store %arg4[%swap3A_162, %swap3A_163, %swap3A_164], %swap3A_167 {strides = array<i32>} : memref<1x256x16xi32, #tpu.memory_space<vmem>>, vector<1x256x1xi32>,
    %eq3A_168 = vector.broadcast %broadcast_in_dim3A_160 : vector<256x1xf32> to vector<256x4096xf32>
    %eq3A_169 = arith.cmpf oeq, %convert_element_type3A, %eq3A_168 : vector<256x4096xf32>
    %jit3A_170 = arith.constant 0x7F800000 : f32
    %broadcast_in_dim3A_171 = vector.broadcast %jit3A_170 : f32 to vector<256x4096xf32>
    %select_n3A_172 = arith.select %eq3A_169, %broadcast_in_dim3A_171, %select_n3A_149 : vector<256x4096xi1>, vector<256x4096xf32>
    %reduce_min3A_173 = arith.constant dense<0x7F800000> : vector<256xf32>
    %reduce_min3A_174 = vector.multi_reduction <minimumf>, %select_n3A_172, %reduce_min3A_173 [1] : vector<256x4096xf32> to vector<256xf32>
    %broadcast_in_dim3A_175 = vector.shape_cast %reduce_min3A_174 : vector<256xf32> to vector<256x1xf32>
    %eq3A_176 = vector.broadcast %broadcast_in_dim3A_175 : vector<256x1xf32> to vector<256x4096xf32>
    %eq3A_177 = arith.cmpf oeq, %select_n3A_172, %eq3A_176 : vector<256x4096xf32>
    %jit3A_178 = arith.constant 4.096000e+03 : f32
    %broadcast_in_dim3A_179 = vector.broadcast %jit3A_178 : f32 to vector<256x4096xf32>
    %select_n3A_180 = arith.select %eq3A_177, %convert_element_type3A, %broadcast_in_dim3A_179 : vector<256x4096xi1>, vector<256x4096xf32>
    %reduce_min3A_181 = arith.constant dense<0x7F800000> : vector<256xf32>
    %reduce_min3A_182 = vector.multi_reduction <minimumf>, %select_n3A_180, %reduce_min3A_181 [1] : vector<256x4096xf32> to vector<256xf32>
    %broadcast_in_dim3A_183 = vector.shape_cast %reduce_min3A_182 : vector<256xf32> to vector<256x1xf32>
    %convert_element_type3A_184 = arith.fptosi %broadcast_in_dim3A_183 : vector<256x1xf32> to vector<256x1xi32>
    %swap3A_185 = arith.constant 0 : index
    %swap3A_186 = arith.constant 0 : index
    %swap3A_187 = arith.constant 6 : index
    %swap3A_188 = vector.load %arg4[%swap3A_185, %swap3A_186, %swap3A_187] : memref<1x256x16xi32, #tpu.memory_space<vmem>>, vector<1x256x1xi32>
    %swap3A_189 = vector.shape_cast %swap3A_188 : vector<1x256x1xi32> to vector<256x1xi32>
    %swap3A_190 = vector.shape_cast %convert_element_type3A_184 : vector<256x1xi32> to vector<1x256x1xi32>
    tpu.vector_store %arg4[%swap3A_185, %swap3A_186, %swap3A_187], %swap3A_190 {strides = array<i32>} : memref<1x256x16xi32, #tpu.memory_space<vmem>>, vector<1x256x1xi32>,
    %eq3A_191 = vector.broadcast %broadcast_in_dim3A_183 : vector<256x1xf32> to vector<256x4096xf32>
    %eq3A_192 = arith.cmpf oeq, %convert_element_type3A, %eq3A_191 : vector<256x4096xf32>
    %jit3A_193 = arith.constant 0x7F800000 : f32
    %broadcast_in_dim3A_194 = vector.broadcast %jit3A_193 : f32 to vector<256x4096xf32>
    %select_n3A_195 = arith.select %eq3A_192, %broadcast_in_dim3A_194, %select_n3A_172 : vector<256x4096xi1>, vector<256x4096xf32>
    %reduce_min3A_196 = arith.constant dense<0x7F800000> : vector<256xf32>
    %reduce_min3A_197 = vector.multi_reduction <minimumf>, %select_n3A_195, %reduce_min3A_196 [1] : vector<256x4096xf32> to vector<256xf32>
    %broadcast_in_dim3A_198 = vector.shape_cast %reduce_min3A_197 : vector<256xf32> to vector<256x1xf32>
    %eq3A_199 = vector.broadcast %broadcast_in_dim3A_198 : vector<256x1xf32> to vector<256x4096xf32>
    %eq3A_200 = arith.cmpf oeq, %select_n3A_195, %eq3A_199 : vector<256x4096xf32>
    %jit3A_201 = arith.constant 4.096000e+03 : f32
    %broadcast_in_dim3A_202 = vector.broadcast %jit3A_201 : f32 to vector<256x4096xf32>
    %select_n3A_203 = arith.select %eq3A_200, %convert_element_type3A, %broadcast_in_dim3A_202 : vector<256x4096xi1>, vector<256x4096xf32>
    %reduce_min3A_204 = arith.constant dense<0x7F800000> : vector<256xf32>
    %reduce_min3A_205 = vector.multi_reduction <minimumf>, %select_n3A_203, %reduce_min3A_204 [1] : vector<256x4096xf32> to vector<256xf32>
    %broadcast_in_dim3A_206 = vector.shape_cast %reduce_min3A_205 : vector<256xf32> to vector<256x1xf32>
    %convert_element_type3A_207 = arith.fptosi %broadcast_in_dim3A_206 : vector<256x1xf32> to vector<256x1xi32>
    %swap3A_208 = arith.constant 0 : index
    %swap3A_209 = arith.constant 0 : index
    %swap3A_210 = arith.constant 7 : index
    %swap3A_211 = vector.load %arg4[%swap3A_208, %swap3A_209, %swap3A_210] : memref<1x256x16xi32, #tpu.memory_space<vmem>>, vector<1x256x1xi32>
    %swap3A_212 = vector.shape_cast %swap3A_211 : vector<1x256x1xi32> to vector<256x1xi32>
    %swap3A_213 = vector.shape_cast %convert_element_type3A_207 : vector<256x1xi32> to vector<1x256x1xi32>
    tpu.vector_store %arg4[%swap3A_208, %swap3A_209, %swap3A_210], %swap3A_213 {strides = array<i32>} : memref<1x256x16xi32, #tpu.memory_space<vmem>>, vector<1x256x1xi32>,
    %eq3A_214 = vector.broadcast %broadcast_in_dim3A_206 : vector<256x1xf32> to vector<256x4096xf32>
    %eq3A_215 = arith.cmpf oeq, %convert_element_type3A, %eq3A_214 : vector<256x4096xf32>
    %jit3A_216 = arith.constant 0x7F800000 : f32
    %broadcast_in_dim3A_217 = vector.broadcast %jit3A_216 : f32 to vector<256x4096xf32>
    %select_n3A_218 = arith.select %eq3A_215, %broadcast_in_dim3A_217, %select_n3A_195 : vector<256x4096xi1>, vector<256x4096xf32>
    %reduce_min3A_219 = arith.constant dense<0x7F800000> : vector<256xf32>
    %reduce_min3A_220 = vector.multi_reduction <minimumf>, %select_n3A_218, %reduce_min3A_219 [1] : vector<256x4096xf32> to vector<256xf32>
    %broadcast_in_dim3A_221 = vector.shape_cast %reduce_min3A_220 : vector<256xf32> to vector<256x1xf32>
    %eq3A_222 = vector.broadcast %broadcast_in_dim3A_221 : vector<256x1xf32> to vector<256x4096xf32>
    %eq3A_223 = arith.cmpf oeq, %select_n3A_218, %eq3A_222 : vector<256x4096xf32>
    %jit3A_224 = arith.constant 4.096000e+03 : f32
    %broadcast_in_dim3A_225 = vector.broadcast %jit3A_224 : f32 to vector<256x4096xf32>
    %select_n3A_226 = arith.select %eq3A_223, %convert_element_type3A, %broadcast_in_dim3A_225 : vector<256x4096xi1>, vector<256x4096xf32>
    %reduce_min3A_227 = arith.constant dense<0x7F800000> : vector<256xf32>
    %reduce_min3A_228 = vector.multi_reduction <minimumf>, %select_n3A_226, %reduce_min3A_227 [1] : vector<256x4096xf32> to vector<256xf32>
    %broadcast_in_dim3A_229 = vector.shape_cast %reduce_min3A_228 : vector<256xf32> to vector<256x1xf32>
    %convert_element_type3A_230 = arith.fptosi %broadcast_in_dim3A_229 : vector<256x1xf32> to vector<256x1xi32>
    %swap3A_231 = arith.constant 0 : index
    %swap3A_232 = arith.constant 0 : index
    %swap3A_233 = arith.constant 8 : index
    %swap3A_234 = vector.load %arg4[%swap3A_231, %swap3A_232, %swap3A_233] : memref<1x256x16xi32, #tpu.memory_space<vmem>>, vector<1x256x1xi32>
    %swap3A_235 = vector.shape_cast %swap3A_234 : vector<1x256x1xi32> to vector<256x1xi32>
    %swap3A_236 = vector.shape_cast %convert_element_type3A_230 : vector<256x1xi32> to vector<1x256x1xi32>
    tpu.vector_store %arg4[%swap3A_231, %swap3A_232, %swap3A_233], %swap3A_236 {strides = array<i32>} : memref<1x256x16xi32, #tpu.memory_space<vmem>>, vector<1x256x1xi32>,
    %eq3A_237 = vector.broadcast %broadcast_in_dim3A_229 : vector<256x1xf32> to vector<256x4096xf32>
    %eq3A_238 = arith.cmpf oeq, %convert_element_type3A, %eq3A_237 : vector<256x4096xf32>
    %jit3A_239 = arith.constant 0x7F800000 : f32
    %broadcast_in_dim3A_240 = vector.broadcast %jit3A_239 : f32 to vector<256x4096xf32>
    %select_n3A_241 = arith.select %eq3A_238, %broadcast_in_dim3A_240, %select_n3A_218 : vector<256x4096xi1>, vector<256x4096xf32>
    %reduce_min3A_242 = arith.constant dense<0x7F800000> : vector<256xf32>
    %reduce_min3A_243 = vector.multi_reduction <minimumf>, %select_n3A_241, %reduce_min3A_242 [1] : vector<256x4096xf32> to vector<256xf32>
    %broadcast_in_dim3A_244 = vector.shape_cast %reduce_min3A_243 : vector<256xf32> to vector<256x1xf32>
    %eq3A_245 = vector.broadcast %broadcast_in_dim3A_244 : vector<256x1xf32> to vector<256x4096xf32>
    %eq3A_246 = arith.cmpf oeq, %select_n3A_241, %eq3A_245 : vector<256x4096xf32>
    %jit3A_247 = arith.constant 4.096000e+03 : f32
    %broadcast_in_dim3A_248 = vector.broadcast %jit3A_247 : f32 to vector<256x4096xf32>
    %select_n3A_249 = arith.select %eq3A_246, %convert_element_type3A, %broadcast_in_dim3A_248 : vector<256x4096xi1>, vector<256x4096xf32>
    %reduce_min3A_250 = arith.constant dense<0x7F800000> : vector<256xf32>
    %reduce_min3A_251 = vector.multi_reduction <minimumf>, %select_n3A_249, %reduce_min3A_250 [1] : vector<256x4096xf32> to vector<256xf32>
    %broadcast_in_dim3A_252 = vector.shape_cast %reduce_min3A_251 : vector<256xf32> to vector<256x1xf32>
    %convert_element_type3A_253 = arith.fptosi %broadcast_in_dim3A_252 : vector<256x1xf32> to vector<256x1xi32>
    %swap3A_254 = arith.constant 0 : index
    %swap3A_255 = arith.constant 0 : index
    %swap3A_256 = arith.constant 9 : index
    %swap3A_257 = vector.load %arg4[%swap3A_254, %swap3A_255, %swap3A_256] : memref<1x256x16xi32, #tpu.memory_space<vmem>>, vector<1x256x1xi32>
    %swap3A_258 = vector.shape_cast %swap3A_257 : vector<1x256x1xi32> to vector<256x1xi32>
    %swap3A_259 = vector.shape_cast %convert_element_type3A_253 : vector<256x1xi32> to vector<1x256x1xi32>
    tpu.vector_store %arg4[%swap3A_254, %swap3A_255, %swap3A_256], %swap3A_259 {strides = array<i32>} : memref<1x256x16xi32, #tpu.memory_space<vmem>>, vector<1x256x1xi32>,
    %eq3A_260 = vector.broadcast %broadcast_in_dim3A_252 : vector<256x1xf32> to vector<256x4096xf32>
    %eq3A_261 = arith.cmpf oeq, %convert_element_type3A, %eq3A_260 : vector<256x4096xf32>
    %jit3A_262 = arith.constant 0x7F800000 : f32
    %broadcast_in_dim3A_263 = vector.broadcast %jit3A_262 : f32 to vector<256x4096xf32>
    %select_n3A_264 = arith.select %eq3A_261, %broadcast_in_dim3A_263, %select_n3A_241 : vector<256x4096xi1>, vector<256x4096xf32>
    %reduce_min3A_265 = arith.constant dense<0x7F800000> : vector<256xf32>
    %reduce_min3A_266 = vector.multi_reduction <minimumf>, %select_n3A_264, %reduce_min3A_265 [1] : vector<256x4096xf32> to vector<256xf32>
    %broadcast_in_dim3A_267 = vector.shape_cast %reduce_min3A_266 : vector<256xf32> to vector<256x1xf32>
    %eq3A_268 = vector.broadcast %broadcast_in_dim3A_267 : vector<256x1xf32> to vector<256x4096xf32>
    %eq3A_269 = arith.cmpf oeq, %select_n3A_264, %eq3A_268 : vector<256x4096xf32>
    %jit3A_270 = arith.constant 4.096000e+03 : f32
    %broadcast_in_dim3A_271 = vector.broadcast %jit3A_270 : f32 to vector<256x4096xf32>
    %select_n3A_272 = arith.select %eq3A_269, %convert_element_type3A, %broadcast_in_dim3A_271 : vector<256x4096xi1>, vector<256x4096xf32>
    %reduce_min3A_273 = arith.constant dense<0x7F800000> : vector<256xf32>
    %reduce_min3A_274 = vector.multi_reduction <minimumf>, %select_n3A_272, %reduce_min3A_273 [1] : vector<256x4096xf32> to vector<256xf32>
    %broadcast_in_dim3A_275 = vector.shape_cast %reduce_min3A_274 : vector<256xf32> to vector<256x1xf32>
    %convert_element_type3A_276 = arith.fptosi %broadcast_in_dim3A_275 : vector<256x1xf32> to vector<256x1xi32>
    %swap3A_277 = arith.constant 0 : index
    %swap3A_278 = arith.constant 0 : index
    %swap3A_279 = arith.constant 10 : index
    %swap3A_280 = vector.load %arg4[%swap3A_277, %swap3A_278, %swap3A_279] : memref<1x256x16xi32, #tpu.memory_space<vmem>>, vector<1x256x1xi32>
    %swap3A_281 = vector.shape_cast %swap3A_280 : vector<1x256x1xi32> to vector<256x1xi32>
    %swap3A_282 = vector.shape_cast %convert_element_type3A_276 : vector<256x1xi32> to vector<1x256x1xi32>
    tpu.vector_store %arg4[%swap3A_277, %swap3A_278, %swap3A_279], %swap3A_282 {strides = array<i32>} : memref<1x256x16xi32, #tpu.memory_space<vmem>>, vector<1x256x1xi32>,
    %eq3A_283 = vector.broadcast %broadcast_in_dim3A_275 : vector<256x1xf32> to vector<256x4096xf32>
    %eq3A_284 = arith.cmpf oeq, %convert_element_type3A, %eq3A_283 : vector<256x4096xf32>
    %jit3A_285 = arith.constant 0x7F800000 : f32
    %broadcast_in_dim3A_286 = vector.broadcast %jit3A_285 : f32 to vector<256x4096xf32>
    %select_n3A_287 = arith.select %eq3A_284, %broadcast_in_dim3A_286, %select_n3A_264 : vector<256x4096xi1>, vector<256x4096xf32>
    %reduce_min3A_288 = arith.constant dense<0x7F800000> : vector<256xf32>
    %reduce_min3A_289 = vector.multi_reduction <minimumf>, %select_n3A_287, %reduce_min3A_288 [1] : vector<256x4096xf32> to vector<256xf32>
    %broadcast_in_dim3A_290 = vector.shape_cast %reduce_min3A_289 : vector<256xf32> to vector<256x1xf32>
    %eq3A_291 = vector.broadcast %broadcast_in_dim3A_290 : vector<256x1xf32> to vector<256x4096xf32>
    %eq3A_292 = arith.cmpf oeq, %select_n3A_287, %eq3A_291 : vector<256x4096xf32>
    %jit3A_293 = arith.constant 4.096000e+03 : f32
    %broadcast_in_dim3A_294 = vector.broadcast %jit3A_293 : f32 to vector<256x4096xf32>
    %select_n3A_295 = arith.select %eq3A_292, %convert_element_type3A, %broadcast_in_dim3A_294 : vector<256x4096xi1>, vector<256x4096xf32>
    %reduce_min3A_296 = arith.constant dense<0x7F800000> : vector<256xf32>
    %reduce_min3A_297 = vector.multi_reduction <minimumf>, %select_n3A_295, %reduce_min3A_296 [1] : vector<256x4096xf32> to vector<256xf32>
    %broadcast_in_dim3A_298 = vector.shape_cast %reduce_min3A_297 : vector<256xf32> to vector<256x1xf32>
    %convert_element_type3A_299 = arith.fptosi %broadcast_in_dim3A_298 : vector<256x1xf32> to vector<256x1xi32>
    %swap3A_300 = arith.constant 0 : index
    %swap3A_301 = arith.constant 0 : index
    %swap3A_302 = arith.constant 11 : index
    %swap3A_303 = vector.load %arg4[%swap3A_300, %swap3A_301, %swap3A_302] : memref<1x256x16xi32, #tpu.memory_space<vmem>>, vector<1x256x1xi32>
    %swap3A_304 = vector.shape_cast %swap3A_303 : vector<1x256x1xi32> to vector<256x1xi32>
    %swap3A_305 = vector.shape_cast %convert_element_type3A_299 : vector<256x1xi32> to vector<1x256x1xi32>
    tpu.vector_store %arg4[%swap3A_300, %swap3A_301, %swap3A_302], %swap3A_305 {strides = array<i32>} : memref<1x256x16xi32, #tpu.memory_space<vmem>>, vector<1x256x1xi32>,
    %eq3A_306 = vector.broadcast %broadcast_in_dim3A_298 : vector<256x1xf32> to vector<256x4096xf32>
    %eq3A_307 = arith.cmpf oeq, %convert_element_type3A, %eq3A_306 : vector<256x4096xf32>
    %jit3A_308 = arith.constant 0x7F800000 : f32
    %broadcast_in_dim3A_309 = vector.broadcast %jit3A_308 : f32 to vector<256x4096xf32>
    %select_n3A_310 = arith.select %eq3A_307, %broadcast_in_dim3A_309, %select_n3A_287 : vector<256x4096xi1>, vector<256x4096xf32>
    %reduce_min3A_311 = arith.constant dense<0x7F800000> : vector<256xf32>
    %reduce_min3A_312 = vector.multi_reduction <minimumf>, %select_n3A_310, %reduce_min3A_311 [1] : vector<256x4096xf32> to vector<256xf32>
    %broadcast_in_dim3A_313 = vector.shape_cast %reduce_min3A_312 : vector<256xf32> to vector<256x1xf32>
    %eq3A_314 = vector.broadcast %broadcast_in_dim3A_313 : vector<256x1xf32> to vector<256x4096xf32>
    %eq3A_315 = arith.cmpf oeq, %select_n3A_310, %eq3A_314 : vector<256x4096xf32>
    %jit3A_316 = arith.constant 4.096000e+03 : f32
    %broadcast_in_dim3A_317 = vector.broadcast %jit3A_316 : f32 to vector<256x4096xf32>
    %select_n3A_318 = arith.select %eq3A_315, %convert_element_type3A, %broadcast_in_dim3A_317 : vector<256x4096xi1>, vector<256x4096xf32>
    %reduce_min3A_319 = arith.constant dense<0x7F800000> : vector<256xf32>
    %reduce_min3A_320 = vector.multi_reduction <minimumf>, %select_n3A_318, %reduce_min3A_319 [1] : vector<256x4096xf32> to vector<256xf32>
    %broadcast_in_dim3A_321 = vector.shape_cast %reduce_min3A_320 : vector<256xf32> to vector<256x1xf32>
    %convert_element_type3A_322 = arith.fptosi %broadcast_in_dim3A_321 : vector<256x1xf32> to vector<256x1xi32>
    %swap3A_323 = arith.constant 0 : index
    %swap3A_324 = arith.constant 0 : index
    %swap3A_325 = arith.constant 12 : index
    %swap3A_326 = vector.load %arg4[%swap3A_323, %swap3A_324, %swap3A_325] : memref<1x256x16xi32, #tpu.memory_space<vmem>>, vector<1x256x1xi32>
    %swap3A_327 = vector.shape_cast %swap3A_326 : vector<1x256x1xi32> to vector<256x1xi32>
    %swap3A_328 = vector.shape_cast %convert_element_type3A_322 : vector<256x1xi32> to vector<1x256x1xi32>
    tpu.vector_store %arg4[%swap3A_323, %swap3A_324, %swap3A_325], %swap3A_328 {strides = array<i32>} : memref<1x256x16xi32, #tpu.memory_space<vmem>>, vector<1x256x1xi32>,
    %eq3A_329 = vector.broadcast %broadcast_in_dim3A_321 : vector<256x1xf32> to vector<256x4096xf32>
    %eq3A_330 = arith.cmpf oeq, %convert_element_type3A, %eq3A_329 : vector<256x4096xf32>
    %jit3A_331 = arith.constant 0x7F800000 : f32
    %broadcast_in_dim3A_332 = vector.broadcast %jit3A_331 : f32 to vector<256x4096xf32>
    %select_n3A_333 = arith.select %eq3A_330, %broadcast_in_dim3A_332, %select_n3A_310 : vector<256x4096xi1>, vector<256x4096xf32>
    %reduce_min3A_334 = arith.constant dense<0x7F800000> : vector<256xf32>
    %reduce_min3A_335 = vector.multi_reduction <minimumf>, %select_n3A_333, %reduce_min3A_334 [1] : vector<256x4096xf32> to vector<256xf32>
    %broadcast_in_dim3A_336 = vector.shape_cast %reduce_min3A_335 : vector<256xf32> to vector<256x1xf32>
    %eq3A_337 = vector.broadcast %broadcast_in_dim3A_336 : vector<256x1xf32> to vector<256x4096xf32>
    %eq3A_338 = arith.cmpf oeq, %select_n3A_333, %eq3A_337 : vector<256x4096xf32>
    %jit3A_339 = arith.constant 4.096000e+03 : f32
    %broadcast_in_dim3A_340 = vector.broadcast %jit3A_339 : f32 to vector<256x4096xf32>
    %select_n3A_341 = arith.select %eq3A_338, %convert_element_type3A, %broadcast_in_dim3A_340 : vector<256x4096xi1>, vector<256x4096xf32>
    %reduce_min3A_342 = arith.constant dense<0x7F800000> : vector<256xf32>
    %reduce_min3A_343 = vector.multi_reduction <minimumf>, %select_n3A_341, %reduce_min3A_342 [1] : vector<256x4096xf32> to vector<256xf32>
    %broadcast_in_dim3A_344 = vector.shape_cast %reduce_min3A_343 : vector<256xf32> to vector<256x1xf32>
    %convert_element_type3A_345 = arith.fptosi %broadcast_in_dim3A_344 : vector<256x1xf32> to vector<256x1xi32>
    %swap3A_346 = arith.constant 0 : index
    %swap3A_347 = arith.constant 0 : index
    %swap3A_348 = arith.constant 13 : index
    %swap3A_349 = vector.load %arg4[%swap3A_346, %swap3A_347, %swap3A_348] : memref<1x256x16xi32, #tpu.memory_space<vmem>>, vector<1x256x1xi32>
    %swap3A_350 = vector.shape_cast %swap3A_349 : vector<1x256x1xi32> to vector<256x1xi32>
    %swap3A_351 = vector.shape_cast %convert_element_type3A_345 : vector<256x1xi32> to vector<1x256x1xi32>
    tpu.vector_store %arg4[%swap3A_346, %swap3A_347, %swap3A_348], %swap3A_351 {strides = array<i32>} : memref<1x256x16xi32, #tpu.memory_space<vmem>>, vector<1x256x1xi32>,
    %eq3A_352 = vector.broadcast %broadcast_in_dim3A_344 : vector<256x1xf32> to vector<256x4096xf32>
    %eq3A_353 = arith.cmpf oeq, %convert_element_type3A, %eq3A_352 : vector<256x4096xf32>
    %jit3A_354 = arith.constant 0x7F800000 : f32
    %broadcast_in_dim3A_355 = vector.broadcast %jit3A_354 : f32 to vector<256x4096xf32>
    %select_n3A_356 = arith.select %eq3A_353, %broadcast_in_dim3A_355, %select_n3A_333 : vector<256x4096xi1>, vector<256x4096xf32>
    %reduce_min3A_357 = arith.constant dense<0x7F800000> : vector<256xf32>
    %reduce_min3A_358 = vector.multi_reduction <minimumf>, %select_n3A_356, %reduce_min3A_357 [1] : vector<256x4096xf32> to vector<256xf32>
    %broadcast_in_dim3A_359 = vector.shape_cast %reduce_min3A_358 : vector<256xf32> to vector<256x1xf32>
    %eq3A_360 = vector.broadcast %broadcast_in_dim3A_359 : vector<256x1xf32> to vector<256x4096xf32>
    %eq3A_361 = arith.cmpf oeq, %select_n3A_356, %eq3A_360 : vector<256x4096xf32>
    %jit3A_362 = arith.constant 4.096000e+03 : f32
    %broadcast_in_dim3A_363 = vector.broadcast %jit3A_362 : f32 to vector<256x4096xf32>
    %select_n3A_364 = arith.select %eq3A_361, %convert_element_type3A, %broadcast_in_dim3A_363 : vector<256x4096xi1>, vector<256x4096xf32>
    %reduce_min3A_365 = arith.constant dense<0x7F800000> : vector<256xf32>
    %reduce_min3A_366 = vector.multi_reduction <minimumf>, %select_n3A_364, %reduce_min3A_365 [1] : vector<256x4096xf32> to vector<256xf32>
    %broadcast_in_dim3A_367 = vector.shape_cast %reduce_min3A_366 : vector<256xf32> to vector<256x1xf32>
    %convert_element_type3A_368 = arith.fptosi %broadcast_in_dim3A_367 : vector<256x1xf32> to vector<256x1xi32>
    %swap3A_369 = arith.constant 0 : index
    %swap3A_370 = arith.constant 0 : index
    %swap3A_371 = arith.constant 14 : index
    %swap3A_372 = vector.load %arg4[%swap3A_369, %swap3A_370, %swap3A_371] : memref<1x256x16xi32, #tpu.memory_space<vmem>>, vector<1x256x1xi32>
    %swap3A_373 = vector.shape_cast %swap3A_372 : vector<1x256x1xi32> to vector<256x1xi32>
    %swap3A_374 = vector.shape_cast %convert_element_type3A_368 : vector<256x1xi32> to vector<1x256x1xi32>
    tpu.vector_store %arg4[%swap3A_369, %swap3A_370, %swap3A_371], %swap3A_374 {strides = array<i32>} : memref<1x256x16xi32, #tpu.memory_space<vmem>>, vector<1x256x1xi32>,
    %eq3A_375 = vector.broadcast %broadcast_in_dim3A_367 : vector<256x1xf32> to vector<256x4096xf32>
    %eq3A_376 = arith.cmpf oeq, %convert_element_type3A, %eq3A_375 : vector<256x4096xf32>
    %jit3A_377 = arith.constant 0x7F800000 : f32
    %broadcast_in_dim3A_378 = vector.broadcast %jit3A_377 : f32 to vector<256x4096xf32>
    %select_n3A_379 = arith.select %eq3A_376, %broadcast_in_dim3A_378, %select_n3A_356 : vector<256x4096xi1>, vector<256x4096xf32>
    %reduce_min3A_380 = arith.constant dense<0x7F800000> : vector<256xf32>
    %reduce_min3A_381 = vector.multi_reduction <minimumf>, %select_n3A_379, %reduce_min3A_380 [1] : vector<256x4096xf32> to vector<256xf32>
    %broadcast_in_dim3A_382 = vector.shape_cast %reduce_min3A_381 : vector<256xf32> to vector<256x1xf32>
    %eq3A_383 = vector.broadcast %broadcast_in_dim3A_382 : vector<256x1xf32> to vector<256x4096xf32>
    %eq3A_384 = arith.cmpf oeq, %select_n3A_379, %eq3A_383 : vector<256x4096xf32>
    %jit3A_385 = arith.constant 4.096000e+03 : f32
    %broadcast_in_dim3A_386 = vector.broadcast %jit3A_385 : f32 to vector<256x4096xf32>
    %select_n3A_387 = arith.select %eq3A_384, %convert_element_type3A, %broadcast_in_dim3A_386 : vector<256x4096xi1>, vector<256x4096xf32>
    %reduce_min3A_388 = arith.constant dense<0x7F800000> : vector<256xf32>
    %reduce_min3A_389 = vector.multi_reduction <minimumf>, %select_n3A_387, %reduce_min3A_388 [1] : vector<256x4096xf32> to vector<256xf32>
    %broadcast_in_dim3A_390 = vector.shape_cast %reduce_min3A_389 : vector<256xf32> to vector<256x1xf32>
    %convert_element_type3A_391 = arith.fptosi %broadcast_in_dim3A_390 : vector<256x1xf32> to vector<256x1xi32>
    %swap3A_392 = arith.constant 0 : index
    %swap3A_393 = arith.constant 0 : index
    %swap3A_394 = arith.constant 15 : index
    %swap3A_395 = vector.load %arg4[%swap3A_392, %swap3A_393, %swap3A_394] : memref<1x256x16xi32, #tpu.memory_space<vmem>>, vector<1x256x1xi32>
    %swap3A_396 = vector.shape_cast %swap3A_395 : vector<1x256x1xi32> to vector<256x1xi32>
    %swap3A_397 = vector.shape_cast %convert_element_type3A_391 : vector<256x1xi32> to vector<1x256x1xi32>
    tpu.vector_store %arg4[%swap3A_392, %swap3A_393, %swap3A_394], %swap3A_397 {strides = array<i32>} : memref<1x256x16xi32, #tpu.memory_space<vmem>>, vector<1x256x1xi32>,
    return
  }
  func.func @transform_0(%arg0: i32, %arg1: i32) -> (i32, i32, i32) {
    %c0_i32 = arith.constant 0 : i32
    %c0_i32_0 = arith.constant 0 : i32
    %c0_i32_1 = arith.constant 0 : i32
    return %arg0, %c0_i32, %c0_i32_0 : i32, i32, i32
  }
  func.func @transform_1(%arg0: i32, %arg1: i32) -> (i32, i32, i32) {
    %c0_i32 = arith.constant 0 : i32
    %c0_i32_0 = arith.constant 0 : i32
    return %arg0, %arg1, %c0_i32 : i32, i32, i32
  }
  func.func @transform_2(%arg0: i32, %arg1: i32) -> (i32, i32, i32) {
    %c0_i32 = arith.constant 0 : i32
    %c0_i32_0 = arith.constant 0 : i32
    return %arg0, %arg1, %c0_i32 : i32, i32, i32
  }
}

</mosaic_0001>

<sc_bundles>
// kernel: _knn_call.4.cloned.1.call-start
scs
__scs_entry_jumppad:
0x0: {  	(pc) =	sbr.rel $0x88, $3  }
0x1: {  	(tag) =	ssettag $0x0;
	lr =	simm.s32 $0x1  }
0x2: {  	[smem:$0x3FA0] =	sst lr;
	_ =	strace $0xD0000000  }
0x3: {  	_ = 	snop  }
0x4: {  	_ = 	snop  }
0x5: {  	_ = 	snop  }
0x6: {  	_ = 	snop  }
0x7: {  	_ = 	snop  }
__scs_overlays_trampoline_lowered:
0x8: {  	[smem:$0x3FAF] =	sst s0  }
0x9: {  	[smem:$0x3FB0] =	sst s1  }
0xa: {  	[smem:$0x3FB1] =	sst s2  }
0xb: {  	[smem:$0x3FB2] =	sst s3  }
0xc: {  	[smem:$0x3FB3] =	sst s4  }
0xd: {  	[smem:$0x3FB4] =	sst s5  }
0xe: {  	[smem:$0x3FB5] =	sst s6  }
0xf: {  	[smem:$0x3FB6] =	sst s7  }
0x10: {  	[smem:$0x3FB7] =	sst s8  }
0x11: {  	[smem:$0x3FB8] =	sst s9;
	s0 =	simm.s32 @!p0 $0x0  }
0x12: {  	s1 =	sld [smem:$0x3F9E];
	s0 =	simm.s32 @p0 $0x1  }
0x13: {  	[smem:$0x3FB9] =	sst s0;
	s0 =	simm.s32 @!p1 $0x0  }
0x14: {  	s2 =	sld [smem:$0x3F9D];
	s0 =	simm.s32 @p1 $0x1  }
0x15: {  	[smem:$0x3FBA] =	sst s0;
	s0 =	simm.s32 @!p2 $0x0  }
0x16: {  	s3 =	sld [smem:$0x3FDB];
	s0 =	simm.s32 @p2 $0x1  }
0x17: {  	s4 =	simm.s32 $0x1BF5;
	[smem:$0x3FBC] =	sst s0  }
0x18: {  	s0 =	sld [smem:$0x3F9F];
	_ =	swait.ge [sflag:s4], $0x0  }
0x19: {  	s7 =	sld [smem:$0x3FA0]  }
0x1a: {  	s8 =	sadd.s32 $0xFFFFE003, lr  }
0x1b: {  	s9 =	sadd.s32 $0xFFFFFEF7, lr;
	s5 =	simm.s32 $0xFFFFFFFF;
	p2 =	slt.u32 s8, $0xFFFFF086  }
0x1c: {  	p1 =	slt.u32 s9, $0xF7A;
	s5 =	simm.s32 @!p2 $0x0  }
0x1d: {  	s5 =	simm.s32 @p1 $0x1;
	p0 =	seq.s32 s7, s2  }
0x1e: {  	s7 =	smul.u32 @!p0 $0xF7A, s2;
	p2 =	seq.s32 @!p0 s5, $0x0  }
0x1f: {  	s9 =	smul.u32 $0xF7A, s1;
	s8 =	simm.s32 @!p0 $0x1BF5;
	p2 =	por !p2, p0  }
0x20: {  	[sflag:s8] =	ssyncset.s32 @!p0 $0xFFFFF086;
	s6 =	sadd.s32 @!p0 s3, s7;
	s7 =	simm.s32 @!p0 $0x108  }
0x21: {  	s3 =	sadd.s32 s3, s9;
	s6 =	sadd.s32 @!p0 $0x88, s6;
	s7 =	simm.s32 @p2 $0x1082  }
0x22: {  	[simem:s7], [sflag:s8] =	dma.local @!p0 [hbm:s6], $0xF7A  }
0x23: {  	s9 =	sor.u32 $0xD0000000, s2;
	s6 =	simm.s32 $0x108;
	_ =	swait.ge @!p0 [sflag:s8], $0x0  }
0x24: {  	s3 =	sadd.s32 $0x88, s3;
	s6 =	simm.s32 @!p1 $0x1082;
	[sflag:s4] =	ssyncset.s32 $0xFFFFF086  }
0x25: {  	[simem:s6], [sflag:s4] =	dma.local [hbm:s3], $0xF7A  }
0x26: {  	[smem:$0x3FA0] =	sst s1;
	(tag) =	ssettag s2;
	_ =	strace s9  }
0x27: {  	s1 =	sld [smem:$0x3FB0]  }
0x28: {  	s2 =	sld [smem:$0x3FB1]  }
0x29: {  	s4 =	sld [smem:$0x3FB3]  }
0x2a: {  	p0 =	seq.s32 s5, $0x0;
	s5 =	sld [smem:$0x3FB4]  }
0x2b: {  	s6 =	sld [smem:$0x3FB5]  }
0x2c: {  	s7 =	sld [smem:$0x3FB6]  }
0x2d: {  	s3 =	simm.s32 $0x108;
	s8 =	sld [smem:$0x3FB7]  }
0x2e: {  	s3 =	simm.s32 @!p0 $0x1082;
	s9 =	sld [smem:$0x3FB8]  }
0x2f: {  	lr =	sadd.s32 s0, s3;
	s0 =	sld [smem:$0x3FAF]  }
0x30: {  	s3 =	sld [smem:$0x3FB2]  }
0x31: {  	[smem:$0x3FBB] =	sst s10  }
0x32: {  	s10 =	sld [smem:$0x3FB9];
	_ =	sdelay $0x3  }
0x33: {  	p0 =	seq.s32 s10, $0x1;
	s10 =	sld [smem:$0x3FBB];
	_ =	sdelay $0x3  }
0x34: {  	[smem:$0x3FBB] =	sst s10  }
0x35: {  	s10 =	sld [smem:$0x3FBA];
	_ =	sdelay $0x3  }
0x36: {  	p1 =	seq.s32 s10, $0x1;
	s10 =	sld [smem:$0x3FBB];
	_ =	sdelay $0x3  }
0x37: {  	[smem:$0x3FBB] =	sst s10  }
0x38: {  	s10 =	sld [smem:$0x3FBC]  }
0x39: {  	_ = 	snop;
	(pc) =	sbr.ind lr, $3  }
0x3a: {  	_ = 	snop  }
0x3b: {  	_ = 	snop  }
0x3c: {  	p2 =	seq.s32 s10, $0x1;
	s10 =	sld [smem:$0x3FBB]  }
0x3d: {  	_ =	shalt  }
0x3e: {  	_ =	shalt  }
0x3f: {  	_ =	shalt  }
0x40: {  	_ =	shalt  }
0x41: {  	_ =	shalt  }
0x42: {  	_ =	shalt  }
0x43: {  	_ =	shalt  }
0x44: {  	_ =	shalt  }
0x45: {  	_ =	shalt  }
0x46: {  	_ =	shalt  }
0x47: {  	_ =	shalt  }
0x48: {  	_ =	shalt  }
0x49: {  	_ =	shalt  }
0x4a: {  	_ =	shalt  }
0x4b: {  	_ =	shalt  }
0x4c: {  	_ =	shalt  }
0x4d: {  	_ =	shalt  }
0x4e: {  	_ =	shalt  }
0x4f: {  	_ =	shalt  }
0x50: {  	_ =	shalt  }
0x51: {  	_ =	shalt  }
0x52: {  	_ =	shalt  }
0x53: {  	_ =	shalt  }
0x54: {  	_ =	shalt  }
0x55: {  	_ =	shalt  }
0x56: {  	_ =	shalt  }
0x57: {  	_ =	shalt  }
0x58: {  	_ =	shalt  }
0x59: {  	_ =	shalt  }
0x5a: {  	_ =	shalt  }
0x5b: {  	_ =	shalt  }
0x5c: {  	_ =	shalt  }
0x5d: {  	_ =	shalt  }
0x5e: {  	_ =	shalt  }
0x5f: {  	_ =	shalt  }
0x60: {  	_ =	shalt  }
0x61: {  	_ =	shalt  }
0x62: {  	_ =	shalt  }
0x63: {  	_ =	shalt  }
0x64: {  	_ =	shalt  }
0x65: {  	_ =	shalt  }
0x66: {  	_ =	shalt  }
0x67: {  	_ =	shalt  }
0x68: {  	_ =	shalt  }
0x69: {  	_ =	shalt  }
0x6a: {  	_ =	shalt  }
0x6b: {  	_ =	shalt  }
0x6c: {  	_ =	shalt  }
0x6d: {  	_ =	shalt  }
0x6e: {  	_ =	shalt  }
0x6f: {  	_ =	shalt  }
0x70: {  	_ =	shalt  }
0x71: {  	_ =	shalt  }
0x72: {  	_ =	shalt  }
0x73: {  	_ =	shalt  }
0x74: {  	_ =	shalt  }
0x75: {  	_ =	shalt  }
0x76: {  	_ =	shalt  }
0x77: {  	_ =	shalt  }
0x78: {  	_ =	shalt  }
0x79: {  	_ =	shalt  }
0x7a: {  	_ =	shalt  }
0x7b: {  	_ =	shalt  }
0x7c: {  	_ =	shalt  }
0x7d: {  	_ =	shalt  }
0x7e: {  	_ =	shalt  }
0x7f: {  	_ =	shalt  }
0x80: {  	_ =	shalt  }
0x81: {  	_ =	shalt  }
0x82: {  	_ =	shalt  }
0x83: {  	_ =	shalt  }
0x84: {  	_ =	shalt  }
0x85: {  	_ =	shalt  }
0x86: {  	_ =	shalt  }
0x87: {  	_ =	shalt  }
.Lfunc_end0:
.L_simem_size_0:
called_computation_lowered:
.L_overlay_start_0:
0x88: {  	s2 =	sld [smem:$0x3FD9]  }
0x89: {  	s3 =	sld [smem:$0x3FFE];
	_ =	sdelay $0x1  }
0x8a: {  	s1 =	srdreg.scid  }
0x8b: {  	s0 =	sand.u32 $0x1, s1  }
0x8c: {  	s14 =	sshll.u32 s0, $0xA;
	s2 =	sadd.s32 s3, s2  }
0x8d: {  	s2 =	sadd.s32 s2, s14  }
0x8e: {  	[smem:$0x3FC7] =	sst s2  }
0x8f: {  	_ = 	snop  }
0x90: {  	s2 =	sld [smem:$0x3FD0];
	_ =	sdelay $0x2  }
0x91: {  	s15 =	simm.s32 $0xA;
	s4 =	simm.s32 $0x10  }
0x92: {  	[smem:s4], [sflag:s15] =	dma.local [hbm:s2], $0x1  }
0x93: {  	_ =	swait.eq [sflag:s15], $0x1  }
0x94: {  	[sflag:s15] =	ssyncset.done $0x0  }
0x95: {  	[sflag:s15] =	ssyncadd.s32 $0xFFFFFFFF  }
0x96: {  	s16 =	sld [smem:$0x11];
	(tm) =	ssettm $0x1  }
0x97: {  	s17 =	sld [smem:$0x3FFB];
	_ =	sdelay $0x3  }
0x98: {  	_ =	strace s17  }
0x99: {  	s3 =	sld [smem:$0x3FFC];
	_ =	sdelay $0x3  }
0x9a: {  	_ =	strace s3  }
0x9b: {  	s3 =	sld [smem:$0x3FFD];
	_ =	sdelay $0x3  }
0x9c: {  	_ =	strace s3  }
0x9d: {  	_ =	strace $0x8FFFFFFF  }
0x9e: {  	s18 =	sld [smem:$0x3FDB];
	_ =	sdelay $0x1  }
0x9f: {  	s19 =	simm.s32 $_scs_section_size  }
0xa0: {  	s5 =	simm.s32 $_size__tile_overlayer_lowered;
	s6 =	simm.s32 $_tile_overlayer_lowered  }
0xa1: {  	s22 =	simm.s32 $0x1BFF;
	s21 =	sshll.u32 s6, $0x1;
	s3 =	sadd.s32 s19, s18  }
0xa2: {  	s7 =	simm.s32 $0x0;
	s20 =	sshll.u32 s5, $0x1;
	s5 =	sadd.s32 s21, s3  }
0xa3: {  	[timem:s7], [sflag:s22] =	dma.local [hbm:s5], s20  }
0xa4: {  	_ =	swait.ge [sflag:s22], s20  }
0xa5: {  	s4 =	ssub.s32 $0x0, s20;
	[sflag:s22] =	ssyncset.done $0x0  }
0xa6: {  	[sflag:s22] =	ssyncadd.s32 s4;
	_ =	sdelay $0x1  }
0xa7: {  	s23 =	simm.s32 $0x1B8B  }
0xa8: {  	_ =	swait.ge [sflag:s23], $0x1  }
0xa9: {  	[sflag:s23] =	ssyncset.done $0x0  }
0xaa: {  	s25 =	simm.s32 $0x1B8E;
	s24 =	sld [smem:$0x3FFE];
	[sflag:s23] =	ssyncadd.s32 $0xFFFFFFFF  }
0xab: {  	s26 =	simm.s32 $execute0_lowered;
	[smem:$0x3FD2] =	sst s25  }
0xac: {  	s5 =	sshll.u32 s26, $0x1;
	_ =	strace $0x80000046;
	[dreg:$0x1] =	wrdreg $0xFFFFFFFF  }
0xad: {  	s28 =	simm.s32 $_size_execute0_lowered;
	s3 =	sadd.s32 s3, s5;
	[dreg:$0x0] =	wrdreg $0x0  }
0xae: {  	s5 =	sshll.u32 s28, $0x1;
	[dreg:$0x2] =	wrdreg s3  }
0xaf: {  	[dreg:$0x3] =	wrdreg s5  }
0xb0: {  	[dreg:$0x4] =	wrdreg $0xC0  }
0xb1: {  	_ =	task [dreg:s7], $0x5FFFF  }
0xb2: {  	[dreg:$0x1] =	wrdreg $0xFFFFFFFF  }
0xb3: {  	[dreg:$0x0] =	wrdreg $0x60  }
0xb4: {  	[dreg:$0x2] =	wrdreg s24  }
0xb5: {  	[dreg:$0x3] =	wrdreg s16  }
0xb6: {  	[dreg:$0x4] =	wrdreg $0x9  }
0xb7: {  	_ =	task.clear_ibuf [dreg:s7], $0x5FFFF;
	_ =	strace $0x90000046  }
0xb8: {  	s29 =	simm.s32 $0x9;
	_ =	strace $0x80000048  }
0xb9: {  	_ =	swait.ge [sflag:s29], $0x1  }
0xba: {  	[sflag:s29] =	ssyncadd.s32 $0xFFFFFFFF  }
0xbb: {  	_ =	strace $0x90000048  }
0xbc: {  	_ =	sfence  }
0xbd: {  	s30 =	sld [smem:$0x0];
	_ =	sdelay $0x2  }
0xbe: {  	s31 =	sshll.u32 s1, $0xD;
	s1 =	sshrl.u32 s1, $0x2  }
0xbf: {  	s3 =	sand.u32 $0x4000, s31;
	s1 =	sadd.s32 s1, s30  }
0xc0: {  	s0 =	sor.u32 s3, s0;
	s1 =	sshll.u32 s1, $0x11  }
0xc1: {  	s0 =	sor.u32 s1, s0  }
0xc2: {  	s0 =	sadd.s32 $0x8F2B, s0  }
0xc3: {  	[sflag:s0] =	ssyncadd.remote.s32 $0x1  }
0xc4: {  	_ =	sfence.sel $0xFFFF  }
0xc5: {  	[dreg:$0x0] =	wrdreg $0xFFFFFFFF;
	(pc) =	sbr.abs _section_cstart, $3  }
0xc6: {  	[dreg:$0x1] =	wrdreg $0xFFFFFFFF  }
0xc7: {  	_ =	task.clear_ibuf [dreg:s7], $0x2FFFF;
	_ =	strace $0x9FFFFFFF  }
0xc8: {  	(tm) =	ssettm $0x7FFFFFFF  }
0xc9: {  	_ =	shalt  }
tec
execute0_lowered:
.L_overlay_start_1:
0x0: {  	(tag) =	ssettag $0x1  }
0x1: {  	s3 =	rddreg [dreg:$0x0]  }
0x2: {  	s7 =	rddreg [dreg:$0x1]  }
0x3: {  	s0 =	rddreg [dreg:$0x2]  }
0x4: {  	s1 =	simm.s32 $0x0;
	s4 =	srdreg.scid;
	s2 =	stileid.u32  }
0x5: {  	s13 =	simm.s32 $0x2000;
	s14 =	simm.s32 $0x3000;
	s15 =	simm.s32 $0x4000  }
0x6: {  	s16 =	simm.s32 $0x5000;
	s17 =	simm.s32 $0x7000;
	s18 =	simm.s32 $0x9000  }
0x7: {  	s19 =	simm.s32 $0x0;
	[smem:$0x7FF] =	sst s1;
	s5 =	sadd.s32 $0x400, s3  }
0x8: {  	s9 =	sand.u32 $0x1, s4;
	s28 =	sshll.u32 s2, $0xB;
	s6 =	sshrl.u32 s2, $0x2  }
0x9: {  	s31 =	sshll.u32 s2, $0xA;
	_ =	strace $0x80000047;
	s11 =	smul.u32 $0x3000, s6  }
0xa: {  	s8 =	sshll.u32 s9, $0xA;
	s10 =	ssub.s32 $0x2, s9;
	s6 =	smul.u32 $0x600, s6  }
0xb: {  	s12 =	sshll.u32 s9, $0x9;
	s8 =	sor.u32 s8, s28;
	s29 =	sshrl.u32 s10, $0x1  }
0xc: {  	s3 =	sadd.s32 s8, s3;
	s10 =	ssub.s32 s10, s29;
	s11 =	sshrl.u32 s11, $0x3  }
0xd: {  	s4 =	sadd.s32 s5, s6;
	s7 =	sadd.s32 s7, s8;
	s3 =	sadd.s32 $0x1C00, s3  }
0xe: {  	s30 =	sadd.s32 s5, s11;
	s8 =	sadd.s32 $0x8000, s7;
	s9 =	sadd.s32 $0x10000, s7  }
0xf: {  	s10 =	smax.u32 s10, $0x1;
	s11 =	sor.u32 s12, s31;
	s12 =	simm.s32 $0x1  }
0x10: {  	s5 =	sadd.s32 $0x200, s30;
	s6 =	sadd.s32 $0x400, s30;
	s11 =	sand.u32 $0xE00, s11  }
.LBB2_1:
0x11: {  	[tilespmem:s1], [sflag:$0x1] =	stream.linear.gather [hbm4b:s3+s1], $0x2000, $0x38;
	[tilespmem:$0xB000] =	vst v63  }
0x12: {  	_ =	swait.ge [sflag:s12], $0x2000  }
0x13: {  	[sflag:s12] =	ssyncset.done $0x0  }
0x14: {  	[sflag:s12] =	ssyncadd.s32 $0xFFFFE000  }
0x15: {  	[tilespmem:s13], [sflag:$0x1] =	stream.linear.gather [hbm4b:s4+s1], $0x1000, $0x38;
	[tilespmem:$0xB000] =	vst v63  }
0x16: {  	_ =	swait.ge [sflag:s12], $0x1000  }
0x17: {  	[sflag:s12] =	ssyncset.done $0x0  }
0x18: {  	[sflag:s12] =	ssyncadd.s32 $0xFFFFF000  }
0x19: {  	[tilespmem:s14], [sflag:$0x1] =	stream.linear.gather [hbm4b:s5+s1], $0x1000, $0x38;
	[tilespmem:$0xB000] =	vst v63  }
0x1a: {  	_ =	swait.ge [sflag:s12], $0x1000  }
0x1b: {  	[sflag:s12] =	ssyncset.done $0x0  }
0x1c: {  	[sflag:s12] =	ssyncadd.s32 $0xFFFFF000  }
0x1d: {  	[tilespmem:s15], [sflag:$0x1] =	stream.linear.gather [hbm4b:s6+s1], $0x1000, $0x38;
	[tilespmem:$0xB000] =	vst v63  }
0x1e: {  	_ =	swait.ge [sflag:s12], $0x1000  }
0x1f: {  	[sflag:s12] =	ssyncset.done $0x0  }
0x20: {  	s20 =	simm.s32 $0x0;
	[sflag:s12] =	ssyncadd.s32 $0xFFFFF000  }
0x21: {  	v0 =	vld [tilespmem:s20+$0x0];
	_ =	sdelay $0x1  }
0x22: {  	v1 =	vmov s11;
	_ =	sdelay $0x4  }
0x23: {  	v2 =	vld.idx.msk [tilespmem:v1+s13+$0x0], $0xffff  }
0x24: {  	v3 =	vld.idx.msk [tilespmem:v0+s13+$0x0], $0xffff;
	_ =	sdelay $0x4  }
0x25: {  	v2 =	vsub.f32 v3, v2;
	_ =	sdelay $0x1  }
0x26: {  	[tilespmem:s20+$0x5000] =	vst v2  }
0x27: {  	v2 =	vld.idx.msk [tilespmem:v0+s14+$0x0], $0xffff  }
0x28: {  	v3 =	vld.idx.msk [tilespmem:v1+s14+$0x0], $0xffff;
	_ =	sdelay $0x4  }
0x29: {  	v2 =	vsub.f32 v2, v3;
	_ =	sdelay $0x1  }
0x2a: {  	[tilespmem:s20+$0x7000] =	vst v2  }
0x2b: {  	v2 =	vld.idx.msk [tilespmem:v0+s15+$0x0], $0xffff  }
0x2c: {  	s23 =	simm.s32 $0x10;
	v3 =	vld.idx.msk [tilespmem:v1+s15+$0x0], $0xffff  }
0x2d: {  	v0 =	vld [tilespmem:s23+$0x0]  }
0x2e: {  	s21 =	sadd.s32 $0x1, s11  }
0x2f: {  	s22 =	simm.s32 $0x80;
	v1 =	vmov s21  }
.LBB2_2:
0x30: {  	_ = 	snop  }
0x31: {  	p0 =	sne.s32 s22, $0x7FC0;
	v2 =	vsub.f32 v2, v3;
	s24 =	smov.u32 s22;
	s22 =	sadd.s32 $0x40, s22  }
0x32: {  	_ = 	snop  }
0x33: {  	[tilespmem:s20+$0x9000] =	vst v2;
	s20 =	smov.u32 s23  }
0x34: {  	v2 =	vld.idx.msk [tilespmem:v1+s13+$0x0], $0xffff  }
0x35: {  	v3 =	vld.idx.msk [tilespmem:v0+s13+$0x0], $0xffff;
	_ =	sdelay $0x5  }
0x36: {  	v2 =	vsub.f32 v3, v2;
	_ =	sdelay $0x1  }
0x37: {  	[tilespmem:s20+$0x5000] =	vst v2  }
0x38: {  	v2 =	vld.idx.msk [tilespmem:v0+s14+$0x0], $0xffff  }
0x39: {  	v3 =	vld.idx.msk [tilespmem:v1+s14+$0x0], $0xffff;
	_ =	sdelay $0x5  }
0x3a: {  	v2 =	vsub.f32 v2, v3;
	_ =	sdelay $0x1  }
0x3b: {  	[tilespmem:s20+$0x7000] =	vst v2  }
0x3c: {  	v2 =	vld.idx.msk [tilespmem:v0+s15+$0x0], $0xffff  }
.Ltmp0:
0x3d: {  	v3 =	vld.idx.msk [tilespmem:v1+s15+$0x0], $0xffff;
	(pc) =	sbr.rel @p0 .LBB2_2-.Ltmp0, $4  }
0x3e: {  	s23 =	sshra.s32 s24, $0x2  }
0x3f: {  	v0 =	vld [tilespmem:s23+$0x0]  }
0x40: {  	s21 =	sadd.s32 $0x1, s21  }
0x41: {  	v1 =	vmov s21  }
0x42: {  	_ =	sdelay $0x1  }
0x43: {  	v2 =	vsub.f32 v2, v3;
	_ =	sdelay $0x1  }
0x44: {  	[tilespmem:s20+$0x9000] =	vst v2  }
0x45: {  	v2 =	vld.idx.msk [tilespmem:v1+s13+$0x0], $0xffff  }
0x46: {  	v60 =	vld.idx.msk [tilespmem:v0+s13+$0x0], $0xffff;
	_ =	sdelay $0x4  }
0x47: {  	v2 =	vsub.f32 v60, v2;
	_ =	sdelay $0x1  }
0x48: {  	[tilespmem:s23+$0x5000] =	vst v2  }
0x49: {  	v2 =	vld.idx.msk [tilespmem:v0+s14+$0x0], $0xffff  }
0x4a: {  	v61 =	vld.idx.msk [tilespmem:v1+s14+$0x0], $0xffff;
	_ =	sdelay $0x4  }
0x4b: {  	v2 =	vsub.f32 v2, v61;
	_ =	sdelay $0x1  }
0x4c: {  	[tilespmem:s23+$0x7000] =	vst v2  }
0x4d: {  	v62 =	vld.idx.msk [tilespmem:v0+s15+$0x0], $0xffff  }
0x4e: {  	v63 =	vld.idx.msk [tilespmem:v1+s15+$0x0], $0xffff;
	_ =	sdelay $0x4  }
0x4f: {  	v0 =	vsub.f32 v62, v63;
	_ =	sdelay $0x1  }
0x50: {  	[tilespmem:s23+$0x9000] =	vst v0  }
0x51: {  	[hbm4b:s7+s1] =	stream.linear.scatter [tilespmem:s16], [sflag:$0x1], $0x2000, $0x38;
	[tilespmem:$0xB000] =	vst v63  }
0x52: {  	_ =	swait.ge [sflag:s12], $0x2000  }
0x53: {  	[sflag:s12] =	ssyncset.done $0x0  }
0x54: {  	[sflag:s12] =	ssyncadd.s32 $0xFFFFE000  }
0x55: {  	[hbm4b:s8+s1] =	stream.linear.scatter [tilespmem:s17], [sflag:$0x1], $0x2000, $0x38;
	[tilespmem:$0xB000] =	vst v63  }
0x56: {  	s19 =	sadd.s32 $0x1, s19;
	_ =	swait.ge [sflag:s12], $0x2000  }
0x57: {  	p0 =	sne.s32 s19, s10;
	[sflag:s12] =	ssyncset.done $0x0  }
.Ltmp1:
0x58: {  	[sflag:s12] =	ssyncadd.s32 $0xFFFFE000;
	(pc) =	sbr.rel @p0 .LBB2_1-.Ltmp1, $4  }
0x59: {  	[hbm4b:s9+s1] =	stream.linear.scatter [tilespmem:s18], [sflag:$0x1], $0x2000, $0x38;
	[tilespmem:$0xB000] =	vst v63  }
0x5a: {  	_ =	swait.ge [sflag:s12], $0x2000  }
0x5b: {  	[sflag:s12] =	ssyncset.done $0x0  }
0x5c: {  	[sflag:s12] =	ssyncadd.s32 $0xFFFFE000  }
0x5d: {  	_ =	sfence.sel $0x180000  }
0x5e: {  	[bflag:$0x0] =	sbarrier.arrive $0xFFFF  }
0x5f: {  	p0 =	sne.s32 s2, $0x0;
	_ =	strace $0x90000047  }
0x60: {  	s0 =	sadd.s32 @!p0 $0x100000, s0;
	[bflag:$0x2] =	sbarrier.arrive $0xFFFF  }
0x61: {  	[sflag:s0] =	ssyncadd.tile.s32 @!p0 $0x1;
	_ =	shalt  }
.Lfunc_end2:
_tile_overlayer_lowered:
.L_overlay_start_2:
0x62: {  	(tag) =	ssettag $0x2  }
0x63: {  	s0 =	rddreg [dreg:$0x0];
	s2 =	stileid.u32  }
0x64: {  	s1 =	rddreg [dreg:$0x1];
	p0 =	sne.s32 s2, $0x0  }
0x65: {  	s3 =	rddreg [dreg:$0x2];
	[bflag:$0x3] =	sbarrier.arrive $0xFFFF;
	s2 =	simm.s32 @!p0 $0x1C01  }
0x66: {  	[timem:s3], [sflag:s2] =	dma.local @!p0 [hbm:s0], s1  }
0x67: {  	s0 =	simm.s32 @!p0 $0x1  }
0x68: {  	_ =	swait.ge @!p0 [sflag:s0], s1  }
0x69: {  	s1 =	ssub.s32 @!p0 $0x0, s1;
	[sflag:s0] =	ssyncset.done @!p0 $0x0  }
0x6a: {  	[sflag:s0] =	ssyncadd.s32 @!p0 s1  }
0x6b: {  	[bflag:$0x3] =	sbarrier.arrive $0xFFFF  }
0x6c: {  	_ =	shalt  }

</sc_bundles>
